<compile_context>
chip_gen: v7x
topology: tpu7x:2x2x1
jax: 0.10.2.dev20260603
libtpu: 0.0.44.dev20260713+nightly
codegen_flags: <defaults>
</compile_context>

<pallas_src>
import jax
import jax.numpy as jnp
from jax import lax
from jax.experimental import pallas as pl
from jax.experimental.pallas import tpu as pltpu
from jax.experimental.pallas import tpu_sc as plsc

N = 10000
NP = 10240
D = 128
E = 320000
G = 64
CLS = 10
NC, NS = 2, 16
NW = NC * NS
CH = 128
NCHUNK = 80
EP = NW * NCHUNK * CH
ROWS_PT = NP // NS
ZCH = ROWS_PT // CH
DW = 8

_mesh = plsc.VectorSubcoreMesh(core_axis_name="c", subcore_axis_name="s")


def _deg_body(dsts_hbm, ones_hbm, zeros_hbm, out_hbm, acc, dst_cur, ones_v):
    c = lax.axis_index("c")
    s = lax.axis_index("s")
    base = s * ROWS_PT
    pltpu.sync_copy(zeros_hbm, acc.at[pl.ds(base, ROWS_PT)])
    pltpu.sync_copy(ones_hbm, ones_v)
    plsc.subcore_barrier()

    def body(j, carry):
        pltpu.sync_copy(dsts_hbm.at[c, s, j], dst_cur)
        pltpu.sync_copy(ones_v, acc.at[dst_cur], add=True)
        return carry

    lax.fori_loop(0, NCHUNK, body, 0)
    plsc.subcore_barrier()
    pltpu.sync_copy(acc.at[pl.ds(base, ROWS_PT)], out_hbm.at[c, pl.ds(base, ROWS_PT)])


_deg = pl.kernel(
    _deg_body,
    out_type=jax.ShapeDtypeStruct((NC, NP, DW), jnp.float32),
    mesh=_mesh,
    scratch_types=[
        pltpu.VMEM_SHARED((NP, DW), jnp.float32),
        pltpu.VMEM((CH,), jnp.int32),
        pltpu.VMEM((CH, DW), jnp.float32),
    ],
)


def _agg_body(hp_hbm, srcs_hbm, dsts_hbm, zeros_hbm, out_hbm,
              acc, src_cur, dst_cur, rows_v, sem):
    c = lax.axis_index("c")
    s = lax.axis_index("s")
    base = s * ROWS_PT
    for k in range(ZCH):
        pltpu.sync_copy(zeros_hbm, acc.at[pl.ds(base + k * CH, CH)])
    plsc.subcore_barrier()

    def body(j, carry):
        pltpu.sync_copy(srcs_hbm.at[c, s, j], src_cur)
        pltpu.sync_copy(dsts_hbm.at[c, s, j], dst_cur)
        pltpu.async_copy(hp_hbm.at[src_cur], rows_v, sem).wait()
        pltpu.sync_copy(rows_v, acc.at[dst_cur], add=True)
        return carry

    lax.fori_loop(0, NCHUNK, body, 0)
    plsc.subcore_barrier()
    pltpu.sync_copy(acc.at[pl.ds(base, ROWS_PT)], out_hbm.at[c, pl.ds(base, ROWS_PT)])


_agg = pl.kernel(
    _agg_body,
    out_type=jax.ShapeDtypeStruct((NC, NP, D), jnp.float32),
    mesh=_mesh,
    scratch_types=[
        pltpu.VMEM_SHARED((NP, D), jnp.float32),
        pltpu.VMEM((CH,), jnp.int32),
        pltpu.VMEM((CH,), jnp.int32),
        pltpu.VMEM((CH, D), jnp.float32),
        pltpu.SemaphoreType.DMA,
    ],
)


def _t1_body(degp_ref, x_ref, w_ref, hp_ref, dinv_ref):
    deg = degp_ref[0, :, 0:1] + degp_ref[1, :, 0:1]
    dinv = lax.rsqrt(deg + 1.0)
    dinv_ref[...] = dinv
    hp_ref[...] = dinv * jnp.dot(x_ref[...], w_ref[...],
                                 preferred_element_type=jnp.float32)


_t1 = pl.pallas_call(
    _t1_body,
    out_shape=[jax.ShapeDtypeStruct((NP, D), jnp.float32),
               jax.ShapeDtypeStruct((NP, 1), jnp.float32)],
)


def _t23_body(p_ref, hp_ref, dinv_ref, b_ref, w_ref, out_ref):
    dinv = dinv_ref[...]
    h = jnp.maximum(dinv * (p_ref[0] + p_ref[1] + hp_ref[...]) + b_ref[...], 0.0)
    out_ref[...] = dinv * jnp.dot(h, w_ref[...],
                                  preferred_element_type=jnp.float32)


_t23 = pl.pallas_call(
    _t23_body,
    out_shape=jax.ShapeDtypeStruct((NP, D), jnp.float32),
)


def _t4_body(p_ref, hp_ref, dinv_ref, b_ref, batch_ref, wfc_ref, bfc_ref,
             out_ref, xmax_ref):
    dinv = dinv_ref[...]
    h = jnp.maximum(dinv * (p_ref[0] + p_ref[1] + hp_ref[...]) + b_ref[...], 0.0)
    bt = batch_ref[...].reshape(1, NP)
    gids = lax.broadcasted_iota(jnp.int32, (G, NP), 0)
    maskf = (gids == bt).astype(jnp.float32)
    sums = jnp.dot(maskf, h, preferred_element_type=jnp.float32)
    counts = jnp.sum(maskf, axis=1, keepdims=True)
    mean = sums / jnp.maximum(counts, 1.0)

    neg = jnp.float32(-jnp.inf)

    def body(g, carry):
        mg = batch_ref[...] == g
        v = jnp.where(mg, h, neg)
        xmax_ref[pl.ds(g, 1), :] = jnp.max(v, axis=0, keepdims=True)
        return carry

    lax.fori_loop(0, G, body, 0)
    xmax = jnp.where(counts > 0, xmax_ref[...], 0.0)
    pooled = jnp.concatenate([mean, xmax], axis=1)
    out_ref[...] = jnp.dot(pooled, wfc_ref[...],
                           preferred_element_type=jnp.float32) + bfc_ref[...]


_t4 = pl.pallas_call(
    _t4_body,
    out_shape=jax.ShapeDtypeStruct((G, CLS), jnp.float32),
    scratch_shapes=[pltpu.VMEM((G, D), jnp.float32)],
)


@jax.jit
def kernel(x, edge_index, batch, W1, b1, W2, b2, W3, b3, Wfc, bfc):
    ei = edge_index.astype(jnp.int32)
    pad = EP - E
    pad_idx = N + jnp.arange(pad, dtype=jnp.int32) % (NP - N)
    srcp = jnp.concatenate([ei[0], pad_idx]).reshape(NC, NS, NCHUNK, CH)
    dstp = jnp.concatenate([ei[1], pad_idx]).reshape(NC, NS, NCHUNK, CH)
    xp = jnp.pad(x, ((0, NP - N), (0, 0)))
    bt = jnp.pad(batch.astype(jnp.int32), (0, NP - N),
                 constant_values=G).reshape(NP, 1)
    zeros_deg = jnp.zeros((ROWS_PT, DW), jnp.float32)
    ones_deg = jnp.ones((CH, DW), jnp.float32)
    zeros_agg = jnp.zeros((CH, D), jnp.float32)

    degp = _deg(dstp, ones_deg, zeros_deg)
    hp1, dinv = _t1(degp, xp, W1)
    p1 = _agg(hp1, srcp, dstp, zeros_agg)
    hp2 = _t23(p1, hp1, dinv, b1.reshape(1, D), W2)
    p2 = _agg(hp2, srcp, dstp, zeros_agg)
    hp3 = _t23(p2, hp2, dinv, b2.reshape(1, D), W3)
    p3 = _agg(hp3, srcp, dstp, zeros_agg)
    return _t4(p3, hp3, dinv, b3.reshape(1, D), bt, Wfc, bfc.reshape(1, CLS))

# --- scband reference (transcript-rebuilt; emitter-appended) ---
"""Pipeline reference for scband-graph-classification-gcn-27496380629809 (READ-ONLY COPY).

The authoritative reference and input builder live on the scoring server;
editing this copy changes nothing except your own understanding.
"""

import jax, jax.numpy as jnp
import numpy as np

N_NODES = 10000
N_EDGES = 320000
D_IN = 128
D_HID = 128
N_CLASSES = 10
NUM_GRAPHS = 64


def gcn_conv(x, edge_index, W, b):
    # torch_geometric GCNConv: add self-loops, symmetric normalization, then aggregate
    N = x.shape[0]
    loop = jnp.arange(N, dtype=edge_index.dtype)
    src = jnp.concatenate([edge_index[0], loop])
    dst = jnp.concatenate([edge_index[1], loop])
    deg = jnp.zeros((N,), x.dtype).at[dst].add(1.0)
    dinv = 1.0 / jnp.sqrt(jnp.maximum(deg, 1.0))
    norm = dinv[src] * dinv[dst]
    h = x @ W
    msg = h[src] * norm[:, None]
    out = jnp.zeros((N, W.shape[1]), x.dtype).at[dst].add(msg)
    return out + b


def setup_inputs(seed: int = 0) -> dict:
    key = jax.random.key(seed)
    ks = jax.random.split(key, 12)
    x = jax.random.normal(ks[0], (N_NODES, D_IN), dtype=jnp.float32)
    edge_index = jax.random.randint(ks[1], (2, N_EDGES), 0, N_NODES, dtype=jnp.int64)
    batch = jnp.sort(jax.random.randint(ks[2], (N_NODES,), 0, NUM_GRAPHS, dtype=jnp.int64))
    s_in = 1.0 / np.sqrt(D_IN)
    s_hid = 1.0 / np.sqrt(D_HID)
    s_fc = 1.0 / np.sqrt(2 * D_HID)
    W1 = jax.random.normal(ks[3], (D_IN, D_HID), dtype=jnp.float32) * s_in
    b1 = jnp.zeros((D_HID,), dtype=jnp.float32)
    W2 = jax.random.normal(ks[4], (D_HID, D_HID), dtype=jnp.float32) * s_hid
    b2 = jnp.zeros((D_HID,), dtype=jnp.float32)
    W3 = jax.random.normal(ks[5], (D_HID, D_HID), dtype=jnp.float32) * s_hid
    b3 = jnp.zeros((D_HID,), dtype=jnp.float32)
    Wfc = jax.random.normal(ks[6], (2 * D_HID, N_CLASSES), dtype=jnp.float32) * s_fc
    bfc = jnp.zeros((N_CLASSES,), dtype=jnp.float32)
    return {"x": x, "edge_index": edge_index, "batch": batch,
            "W1": W1, "b1": b1, "W2": W2, "b2": b2, "W3": W3, "b3": b3,
            "Wfc": Wfc, "bfc": bfc}


def reference(x, edge_index, batch, W1, b1, W2, b2, W3, b3, Wfc, bfc):
    h = jax.nn.relu(gcn_conv(x, edge_index, W1, b1))
    h = jax.nn.relu(gcn_conv(h, edge_index, W2, b2))
    # dropout is identity in eval mode
    h = jax.nn.relu(gcn_conv(h, edge_index, W3, b3))
    ones = jnp.ones((h.shape[0], 1), h.dtype)
    counts = jax.ops.segment_sum(ones, batch, num_segments=NUM_GRAPHS)
    x_mean = jax.ops.segment_sum(h, batch, num_segments=NUM_GRAPHS) / jnp.maximum(counts, 1.0)
    x_max = jax.ops.segment_max(h, batch, num_segments=NUM_GRAPHS)
    x_max = jnp.where(counts > 0, x_max, 0.0)
    pooled = jnp.concatenate([x_mean, x_max], axis=1)
    return pooled @ Wfc + bfc

if __name__ == "__main__":
    import jax
    _d = setup_inputs()
    print(jax.jit(kernel)(*tuple(_d.values())))

</pallas_src>

<mosaic_0001>
#map = affine_map<(d0, d1) -> (0, 0)>
#map1 = affine_map<(d0, d1) -> (0, 0, 0, 0)>
#map2 = affine_map<(d0, d1) -> (0, 0, 0)>
module attributes {stable_mosaic.version = 14 : i64} {
  func.func @_agg_body(%arg0: i32, %arg1: i32, %arg2: memref<10240x128xf32, #tpu.memory_space<hbm>>, %arg3: memref<2x16x80x128xi32, #tpu.memory_space<hbm>>, %arg4: memref<2x16x80x128xi32, #tpu.memory_space<hbm>>, %arg5: memref<128x128xf32, #tpu.memory_space<hbm>>, %arg6: memref<2x10240x128xf32, #tpu.memory_space<hbm>>, %arg7: memref<10240x128xf32, #tpu.memory_space<vmem_shared>>, %arg8: memref<128xi32, #tpu.memory_space<vmem>>, %arg9: memref<128xi32, #tpu.memory_space<vmem>>, %arg10: memref<128x128xf32, #tpu.memory_space<vmem>>, %arg11: memref<!tpu.dma_semaphore, #tpu.memory_space<semaphore_mem>>) attributes {dimension_semantics = [#tpu.dimension_semantics<core_parallel>, #tpu.dimension_semantics<subcore_parallel>], iteration_bounds = array<i64: 2, 16>, scalar_prefetch = 0 : i64, scratch_operands = 5 : i64, tpu.core_type = #tpu.core_type<sc_vector_subcore>, window_params = [{transform_indices = #map}, {transform_indices = #map1}, {transform_indices = #map1}, {transform_indices = #map}, {transform_indices = #map2}]} {
    %mul3A = arith.constant 640 : i32
    %mul3A_0 = arith.muli %arg1, %mul3A : i32
    %add3A = arith.constant 0 : i32
    %add3A_1 = arith.addi %mul3A_0, %add3A : i32
    "tpu.region"() ({
      %run_scoped3A = tpu.sem_alloc : memref<!tpu.dma_semaphore, #tpu.memory_space<semaphore_mem>>
      %dma_start3A = arith.constant 0 : i32
      %dma_start3A_16 = tpu.memref_slice %arg7[%add3A_1, %dma_start3A] : memref<10240x128xf32, #tpu.memory_space<vmem_shared>> -> memref<128x128xf32, #tpu.memory_space<vmem_shared>>
      tpu.enqueue_dma source(%arg5 : memref<128x128xf32, #tpu.memory_space<hbm>>) target(%dma_start3A_16 : memref<128x128xf32, #tpu.memory_space<vmem_shared>>) target_semaphore(%run_scoped3A : memref<!tpu.dma_semaphore, #tpu.memory_space<semaphore_mem>>)
      %dma_wait3A = arith.constant 0 : i32
      %dma_wait3A_17 = tpu.memref_slice %arg7[%add3A_1, %dma_wait3A] : memref<10240x128xf32, #tpu.memory_space<vmem_shared>> -> memref<128x128xf32, #tpu.memory_space<vmem_shared>>
      tpu.wait_dma2 semaphore(%run_scoped3A : memref<!tpu.dma_semaphore, #tpu.memory_space<semaphore_mem>>) src(%arg5 : memref<128x128xf32, #tpu.memory_space<hbm>>) dst(%dma_wait3A_17 : memref<128x128xf32, #tpu.memory_space<vmem_shared>>)
      tpu.yield
    }) : () -> ()
    %add3A_2 = arith.constant 128 : i32
    %add3A_3 = arith.addi %mul3A_0, %add3A_2 : i32
    "tpu.region"() ({
      %run_scoped3A = tpu.sem_alloc : memref<!tpu.dma_semaphore, #tpu.memory_space<semaphore_mem>>
      %dma_start3A = arith.constant 0 : i32
      %dma_start3A_16 = tpu.memref_slice %arg7[%add3A_3, %dma_start3A] : memref<10240x128xf32, #tpu.memory_space<vmem_shared>> -> memref<128x128xf32, #tpu.memory_space<vmem_shared>>
      tpu.enqueue_dma source(%arg5 : memref<128x128xf32, #tpu.memory_space<hbm>>) target(%dma_start3A_16 : memref<128x128xf32, #tpu.memory_space<vmem_shared>>) target_semaphore(%run_scoped3A : memref<!tpu.dma_semaphore, #tpu.memory_space<semaphore_mem>>)
      %dma_wait3A = arith.constant 0 : i32
      %dma_wait3A_17 = tpu.memref_slice %arg7[%add3A_3, %dma_wait3A] : memref<10240x128xf32, #tpu.memory_space<vmem_shared>> -> memref<128x128xf32, #tpu.memory_space<vmem_shared>>
      tpu.wait_dma2 semaphore(%run_scoped3A : memref<!tpu.dma_semaphore, #tpu.memory_space<semaphore_mem>>) src(%arg5 : memref<128x128xf32, #tpu.memory_space<hbm>>) dst(%dma_wait3A_17 : memref<128x128xf32, #tpu.memory_space<vmem_shared>>)
      tpu.yield
    }) : () -> ()
    %add3A_4 = arith.constant 256 : i32
    %add3A_5 = arith.addi %mul3A_0, %add3A_4 : i32
    "tpu.region"() ({
      %run_scoped3A = tpu.sem_alloc : memref<!tpu.dma_semaphore, #tpu.memory_space<semaphore_mem>>
      %dma_start3A = arith.constant 0 : i32
      %dma_start3A_16 = tpu.memref_slice %arg7[%add3A_5, %dma_start3A] : memref<10240x128xf32, #tpu.memory_space<vmem_shared>> -> memref<128x128xf32, #tpu.memory_space<vmem_shared>>
      tpu.enqueue_dma source(%arg5 : memref<128x128xf32, #tpu.memory_space<hbm>>) target(%dma_start3A_16 : memref<128x128xf32, #tpu.memory_space<vmem_shared>>) target_semaphore(%run_scoped3A : memref<!tpu.dma_semaphore, #tpu.memory_space<semaphore_mem>>)
      %dma_wait3A = arith.constant 0 : i32
      %dma_wait3A_17 = tpu.memref_slice %arg7[%add3A_5, %dma_wait3A] : memref<10240x128xf32, #tpu.memory_space<vmem_shared>> -> memref<128x128xf32, #tpu.memory_space<vmem_shared>>
      tpu.wait_dma2 semaphore(%run_scoped3A : memref<!tpu.dma_semaphore, #tpu.memory_space<semaphore_mem>>) src(%arg5 : memref<128x128xf32, #tpu.memory_space<hbm>>) dst(%dma_wait3A_17 : memref<128x128xf32, #tpu.memory_space<vmem_shared>>)
      tpu.yield
    }) : () -> ()
    %add3A_6 = arith.constant 384 : i32
    %add3A_7 = arith.addi %mul3A_0, %add3A_6 : i32
    "tpu.region"() ({
      %run_scoped3A = tpu.sem_alloc : memref<!tpu.dma_semaphore, #tpu.memory_space<semaphore_mem>>
      %dma_start3A = arith.constant 0 : i32
      %dma_start3A_16 = tpu.memref_slice %arg7[%add3A_7, %dma_start3A] : memref<10240x128xf32, #tpu.memory_space<vmem_shared>> -> memref<128x128xf32, #tpu.memory_space<vmem_shared>>
      tpu.enqueue_dma source(%arg5 : memref<128x128xf32, #tpu.memory_space<hbm>>) target(%dma_start3A_16 : memref<128x128xf32, #tpu.memory_space<vmem_shared>>) target_semaphore(%run_scoped3A : memref<!tpu.dma_semaphore, #tpu.memory_space<semaphore_mem>>)
      %dma_wait3A = arith.constant 0 : i32
      %dma_wait3A_17 = tpu.memref_slice %arg7[%add3A_7, %dma_wait3A] : memref<10240x128xf32, #tpu.memory_space<vmem_shared>> -> memref<128x128xf32, #tpu.memory_space<vmem_shared>>
      tpu.wait_dma2 semaphore(%run_scoped3A : memref<!tpu.dma_semaphore, #tpu.memory_space<semaphore_mem>>) src(%arg5 : memref<128x128xf32, #tpu.memory_space<hbm>>) dst(%dma_wait3A_17 : memref<128x128xf32, #tpu.memory_space<vmem_shared>>)
      tpu.yield
    }) : () -> ()
    %add3A_8 = arith.constant 512 : i32
    %add3A_9 = arith.addi %mul3A_0, %add3A_8 : i32
    "tpu.region"() ({
      %run_scoped3A = tpu.sem_alloc : memref<!tpu.dma_semaphore, #tpu.memory_space<semaphore_mem>>
      %dma_start3A = arith.constant 0 : i32
      %dma_start3A_16 = tpu.memref_slice %arg7[%add3A_9, %dma_start3A] : memref<10240x128xf32, #tpu.memory_space<vmem_shared>> -> memref<128x128xf32, #tpu.memory_space<vmem_shared>>
      tpu.enqueue_dma source(%arg5 : memref<128x128xf32, #tpu.memory_space<hbm>>) target(%dma_start3A_16 : memref<128x128xf32, #tpu.memory_space<vmem_shared>>) target_semaphore(%run_scoped3A : memref<!tpu.dma_semaphore, #tpu.memory_space<semaphore_mem>>)
      %dma_wait3A = arith.constant 0 : i32
      %dma_wait3A_17 = tpu.memref_slice %arg7[%add3A_9, %dma_wait3A] : memref<10240x128xf32, #tpu.memory_space<vmem_shared>> -> memref<128x128xf32, #tpu.memory_space<vmem_shared>>
      tpu.wait_dma2 semaphore(%run_scoped3A : memref<!tpu.dma_semaphore, #tpu.memory_space<semaphore_mem>>) src(%arg5 : memref<128x128xf32, #tpu.memory_space<hbm>>) dst(%dma_wait3A_17 : memref<128x128xf32, #tpu.memory_space<vmem_shared>>)
      tpu.yield
    }) : () -> ()
    %barrier3A = arith.constant 0 : index
    tpu.barrier barrier_id(%barrier3A)
    %scan3A = arith.constant 0 : i32
    %scan3A_10 = arith.constant 0 : i32
    %scan3A_11 = arith.constant 80 : i32
    %scan3A_12 = arith.addi %scan3A_10, %scan3A_11 : i32
    %scan3A_13 = arith.constant 1 : i32
    scf.for %scan3A_16 = %scan3A_10 to %scan3A_12 step %scan3A_13  : i32 {
      "tpu.region"() ({
        %run_scoped3A = tpu.sem_alloc : memref<!tpu.dma_semaphore, #tpu.memory_space<semaphore_mem>>
        %dma_start3A_21 = arith.constant 0 : i32
        %dma_start3A_22 = tpu.memref_slice %arg3[%arg0, %arg1, %scan3A_16, %dma_start3A_21] : memref<2x16x80x128xi32, #tpu.memory_space<hbm>> -> memref<1x1x1x128xi32, #tpu.memory_space<hbm>>
        %dma_start3A_23 = tpu.memref_squeeze %dma_start3A_22 : memref<1x1x1x128xi32, #tpu.memory_space<hbm>> -> memref<128xi32, #tpu.memory_space<hbm>>
        %dma_start3A_24 = arith.constant 0 : i32
        %dma_start3A_25 = tpu.memref_slice %arg3[%arg0, %arg1, %scan3A_16, %dma_start3A_24] : memref<2x16x80x128xi32, #tpu.memory_space<hbm>> -> memref<1x1x1x128xi32, #tpu.memory_space<hbm>>
        %dma_start3A_26 = tpu.memref_squeeze %dma_start3A_25 : memref<1x1x1x128xi32, #tpu.memory_space<hbm>> -> memref<128xi32, #tpu.memory_space<hbm>>
        tpu.enqueue_dma source(%dma_start3A_26 : memref<128xi32, #tpu.memory_space<hbm>>) target(%arg8 : memref<128xi32, #tpu.memory_space<vmem>>) target_semaphore(%run_scoped3A : memref<!tpu.dma_semaphore, #tpu.memory_space<semaphore_mem>>)
        %dma_wait3A_27 = arith.constant 0 : i32
        %dma_wait3A_28 = tpu.memref_slice %arg3[%arg0, %arg1, %scan3A_16, %dma_wait3A_27] : memref<2x16x80x128xi32, #tpu.memory_space<hbm>> -> memref<1x1x1x128xi32, #tpu.memory_space<hbm>>
        %dma_wait3A_29 = tpu.memref_squeeze %dma_wait3A_28 : memref<1x1x1x128xi32, #tpu.memory_space<hbm>> -> memref<128xi32, #tpu.memory_space<hbm>>
        %dma_wait3A_30 = arith.constant 0 : i32
        %dma_wait3A_31 = tpu.memref_slice %arg3[%arg0, %arg1, %scan3A_16, %dma_wait3A_30] : memref<2x16x80x128xi32, #tpu.memory_space<hbm>> -> memref<1x1x1x128xi32, #tpu.memory_space<hbm>>
        %dma_wait3A_32 = tpu.memref_squeeze %dma_wait3A_31 : memref<1x1x1x128xi32, #tpu.memory_space<hbm>> -> memref<128xi32, #tpu.memory_space<hbm>>
        tpu.wait_dma2 semaphore(%run_scoped3A : memref<!tpu.dma_semaphore, #tpu.memory_space<semaphore_mem>>) src(%dma_wait3A_32 : memref<128xi32, #tpu.memory_space<hbm>>) dst(%arg8 : memref<128xi32, #tpu.memory_space<vmem>>)
        tpu.yield
      }) : () -> ()
      "tpu.region"() ({
        %run_scoped3A = tpu.sem_alloc : memref<!tpu.dma_semaphore, #tpu.memory_space<semaphore_mem>>
        %dma_start3A_21 = arith.constant 0 : i32
        %dma_start3A_22 = tpu.memref_slice %arg4[%arg0, %arg1, %scan3A_16, %dma_start3A_21] : memref<2x16x80x128xi32, #tpu.memory_space<hbm>> -> memref<1x1x1x128xi32, #tpu.memory_space<hbm>>
        %dma_start3A_23 = tpu.memref_squeeze %dma_start3A_22 : memref<1x1x1x128xi32, #tpu.memory_space<hbm>> -> memref<128xi32, #tpu.memory_space<hbm>>
        %dma_start3A_24 = arith.constant 0 : i32
        %dma_start3A_25 = tpu.memref_slice %arg4[%arg0, %arg1, %scan3A_16, %dma_start3A_24] : memref<2x16x80x128xi32, #tpu.memory_space<hbm>> -> memref<1x1x1x128xi32, #tpu.memory_space<hbm>>
        %dma_start3A_26 = tpu.memref_squeeze %dma_start3A_25 : memref<1x1x1x128xi32, #tpu.memory_space<hbm>> -> memref<128xi32, #tpu.memory_space<hbm>>
        tpu.enqueue_dma source(%dma_start3A_26 : memref<128xi32, #tpu.memory_space<hbm>>) target(%arg9 : memref<128xi32, #tpu.memory_space<vmem>>) target_semaphore(%run_scoped3A : memref<!tpu.dma_semaphore, #tpu.memory_space<semaphore_mem>>)
        %dma_wait3A_27 = arith.constant 0 : i32
        %dma_wait3A_28 = tpu.memref_slice %arg4[%arg0, %arg1, %scan3A_16, %dma_wait3A_27] : memref<2x16x80x128xi32, #tpu.memory_space<hbm>> -> memref<1x1x1x128xi32, #tpu.memory_space<hbm>>
        %dma_wait3A_29 = tpu.memref_squeeze %dma_wait3A_28 : memref<1x1x1x128xi32, #tpu.memory_space<hbm>> -> memref<128xi32, #tpu.memory_space<hbm>>
        %dma_wait3A_30 = arith.constant 0 : i32
        %dma_wait3A_31 = tpu.memref_slice %arg4[%arg0, %arg1, %scan3A_16, %dma_wait3A_30] : memref<2x16x80x128xi32, #tpu.memory_space<hbm>> -> memref<1x1x1x128xi32, #tpu.memory_space<hbm>>
        %dma_wait3A_32 = tpu.memref_squeeze %dma_wait3A_31 : memref<1x1x1x128xi32, #tpu.memory_space<hbm>> -> memref<128xi32, #tpu.memory_space<hbm>>
        tpu.wait_dma2 semaphore(%run_scoped3A : memref<!tpu.dma_semaphore, #tpu.memory_space<semaphore_mem>>) src(%dma_wait3A_32 : memref<128xi32, #tpu.memory_space<hbm>>) dst(%arg9 : memref<128xi32, #tpu.memory_space<vmem>>)
        tpu.yield
      }) : () -> ()
      %dma_start3A = arith.constant 0 : i32
      %dma_start3A_17 = arith.constant 0 : i32
      %dma_start3A_18 = tpu.memref_slice %arg2[%dma_start3A, %dma_start3A_17] : memref<10240x128xf32, #tpu.memory_space<hbm>> -> memref<10240x128xf32, #tpu.memory_space<hbm>>
      tpu.enqueue_indirect_dma source(%dma_start3A_18 : memref<10240x128xf32, #tpu.memory_space<hbm>>) target(%arg10 : memref<128x128xf32, #tpu.memory_space<vmem>>) offsets(%arg8 : memref<128xi32, #tpu.memory_space<vmem>>) semaphore(%arg11 : memref<!tpu.dma_semaphore, #tpu.memory_space<semaphore_mem>>)
      %dma_wait3A = arith.constant 0 : i32
      %dma_wait3A_19 = arith.constant 0 : i32
      %dma_wait3A_20 = tpu.memref_slice %arg2[%dma_wait3A, %dma_wait3A_19] : memref<10240x128xf32, #tpu.memory_space<hbm>> -> memref<10240x128xf32, #tpu.memory_space<hbm>>
      tpu.wait_indirect_dma semaphore(%arg11 : memref<!tpu.dma_semaphore, #tpu.memory_space<semaphore_mem>>) src(%dma_wait3A_20 : memref<10240x128xf32, #tpu.memory_space<hbm>>) dst(%arg10 : memref<128x128xf32, #tpu.memory_space<vmem>>)
      "tpu.region"() ({
        %run_scoped3A = tpu.sem_alloc : memref<!tpu.dma_semaphore, #tpu.memory_space<semaphore_mem>>
        %dma_start3A_21 = arith.constant 0 : i32
        %dma_start3A_22 = arith.constant 0 : i32
        %dma_start3A_23 = tpu.memref_slice %arg7[%dma_start3A_21, %dma_start3A_22] : memref<10240x128xf32, #tpu.memory_space<vmem_shared>> -> memref<10240x128xf32, #tpu.memory_space<vmem_shared>>
        tpu.enqueue_indirect_dma source(%arg10 : memref<128x128xf32, #tpu.memory_space<vmem>>) target(%dma_start3A_23 : memref<10240x128xf32, #tpu.memory_space<vmem_shared>>) offsets(%arg9 : memref<128xi32, #tpu.memory_space<vmem>>) semaphore(%run_scoped3A : memref<!tpu.dma_semaphore, #tpu.memory_space<semaphore_mem>>) {add = true}
        %dma_wait3A_24 = arith.constant 0 : i32
        %dma_wait3A_25 = arith.constant 0 : i32
        %dma_wait3A_26 = tpu.memref_slice %arg7[%dma_wait3A_24, %dma_wait3A_25] : memref<10240x128xf32, #tpu.memory_space<vmem_shared>> -> memref<10240x128xf32, #tpu.memory_space<vmem_shared>>
        tpu.wait_indirect_dma semaphore(%run_scoped3A : memref<!tpu.dma_semaphore, #tpu.memory_space<semaphore_mem>>) src(%arg10 : memref<128x128xf32, #tpu.memory_space<vmem>>) dst(%dma_wait3A_26 : memref<10240x128xf32, #tpu.memory_space<vmem_shared>>)
        tpu.yield
      }) : () -> ()
    }
    %scan3A_14 = arith.constant 80 : i32
    %barrier3A_15 = arith.constant 0 : index
    tpu.barrier barrier_id(%barrier3A_15)
    "tpu.region"() ({
      %run_scoped3A = tpu.sem_alloc : memref<!tpu.dma_semaphore, #tpu.memory_space<semaphore_mem>>
      %dma_start3A = arith.constant 0 : i32
      %dma_start3A_16 = tpu.memref_slice %arg6[%arg0, %mul3A_0, %dma_start3A] : memref<2x10240x128xf32, #tpu.memory_space<hbm>> -> memref<1x640x128xf32, #tpu.memory_space<hbm>>
      %dma_start3A_17 = tpu.memref_squeeze %dma_start3A_16 : memref<1x640x128xf32, #tpu.memory_space<hbm>> -> memref<640x128xf32, #tpu.memory_space<hbm>>
      %dma_start3A_18 = arith.constant 0 : i32
      %dma_start3A_19 = tpu.memref_slice %arg7[%mul3A_0, %dma_start3A_18] : memref<10240x128xf32, #tpu.memory_space<vmem_shared>> -> memref<640x128xf32, #tpu.memory_space<vmem_shared>>
      tpu.enqueue_dma source(%dma_start3A_19 : memref<640x128xf32, #tpu.memory_space<vmem_shared>>) target(%dma_start3A_17 : memref<640x128xf32, #tpu.memory_space<hbm>>) target_semaphore(%run_scoped3A : memref<!tpu.dma_semaphore, #tpu.memory_space<semaphore_mem>>)
      %dma_wait3A = arith.constant 0 : i32
      %dma_wait3A_20 = tpu.memref_slice %arg6[%arg0, %mul3A_0, %dma_wait3A] : memref<2x10240x128xf32, #tpu.memory_space<hbm>> -> memref<1x640x128xf32, #tpu.memory_space<hbm>>
      %dma_wait3A_21 = tpu.memref_squeeze %dma_wait3A_20 : memref<1x640x128xf32, #tpu.memory_space<hbm>> -> memref<640x128xf32, #tpu.memory_space<hbm>>
      %dma_wait3A_22 = arith.constant 0 : i32
      %dma_wait3A_23 = tpu.memref_slice %arg7[%mul3A_0, %dma_wait3A_22] : memref<10240x128xf32, #tpu.memory_space<vmem_shared>> -> memref<640x128xf32, #tpu.memory_space<vmem_shared>>
      tpu.wait_dma2 semaphore(%run_scoped3A : memref<!tpu.dma_semaphore, #tpu.memory_space<semaphore_mem>>) src(%dma_wait3A_23 : memref<640x128xf32, #tpu.memory_space<vmem_shared>>) dst(%dma_wait3A_21 : memref<640x128xf32, #tpu.memory_space<hbm>>)
      tpu.yield
    }) : () -> ()
    return
  }
}

#map = affine_map<(d0, d1) -> (0, 0, 0, 0)>
#map1 = affine_map<(d0, d1) -> (0, 0)>
#map2 = affine_map<(d0, d1) -> (0, 0, 0)>
module attributes {stable_mosaic.version = 14 : i64} {
  func.func @_deg_body(%arg0: i32, %arg1: i32, %arg2: memref<2x16x80x128xi32, #tpu.memory_space<hbm>>, %arg3: memref<128x8xf32, #tpu.memory_space<hbm>>, %arg4: memref<640x8xf32, #tpu.memory_space<hbm>>, %arg5: memref<2x10240x8xf32, #tpu.memory_space<hbm>>, %arg6: memref<10240x8xf32, #tpu.memory_space<vmem_shared>>, %arg7: memref<128xi32, #tpu.memory_space<vmem>>, %arg8: memref<128x8xf32, #tpu.memory_space<vmem>>) attributes {dimension_semantics = [#tpu.dimension_semantics<core_parallel>, #tpu.dimension_semantics<subcore_parallel>], iteration_bounds = array<i64: 2, 16>, scalar_prefetch = 0 : i64, scratch_operands = 3 : i64, tpu.core_type = #tpu.core_type<sc_vector_subcore>, window_params = [{transform_indices = #map}, {transform_indices = #map1}, {transform_indices = #map1}, {transform_indices = #map2}]} {
    %mul3A = arith.constant 640 : i32
    %mul3A_0 = arith.muli %arg1, %mul3A : i32
    "tpu.region"() ({
      %run_scoped3A = tpu.sem_alloc : memref<!tpu.dma_semaphore, #tpu.memory_space<semaphore_mem>>
      %dma_start3A = arith.constant 0 : i32
      %dma_start3A_7 = tpu.memref_slice %arg6[%mul3A_0, %dma_start3A] : memref<10240x8xf32, #tpu.memory_space<vmem_shared>> -> memref<640x8xf32, #tpu.memory_space<vmem_shared>>
      tpu.enqueue_dma source(%arg4 : memref<640x8xf32, #tpu.memory_space<hbm>>) target(%dma_start3A_7 : memref<640x8xf32, #tpu.memory_space<vmem_shared>>) target_semaphore(%run_scoped3A : memref<!tpu.dma_semaphore, #tpu.memory_space<semaphore_mem>>)
      %dma_wait3A = arith.constant 0 : i32
      %dma_wait3A_8 = tpu.memref_slice %arg6[%mul3A_0, %dma_wait3A] : memref<10240x8xf32, #tpu.memory_space<vmem_shared>> -> memref<640x8xf32, #tpu.memory_space<vmem_shared>>
      tpu.wait_dma2 semaphore(%run_scoped3A : memref<!tpu.dma_semaphore, #tpu.memory_space<semaphore_mem>>) src(%arg4 : memref<640x8xf32, #tpu.memory_space<hbm>>) dst(%dma_wait3A_8 : memref<640x8xf32, #tpu.memory_space<vmem_shared>>)
      tpu.yield
    }) : () -> ()
    "tpu.region"() ({
      %run_scoped3A = tpu.sem_alloc : memref<!tpu.dma_semaphore, #tpu.memory_space<semaphore_mem>>
      tpu.enqueue_dma source(%arg3 : memref<128x8xf32, #tpu.memory_space<hbm>>) target(%arg8 : memref<128x8xf32, #tpu.memory_space<vmem>>) target_semaphore(%run_scoped3A : memref<!tpu.dma_semaphore, #tpu.memory_space<semaphore_mem>>)
      tpu.wait_dma2 semaphore(%run_scoped3A : memref<!tpu.dma_semaphore, #tpu.memory_space<semaphore_mem>>) src(%arg3 : memref<128x8xf32, #tpu.memory_space<hbm>>) dst(%arg8 : memref<128x8xf32, #tpu.memory_space<vmem>>)
      tpu.yield
    }) : () -> ()
    %barrier3A = arith.constant 0 : index
    tpu.barrier barrier_id(%barrier3A)
    %scan3A = arith.constant 0 : i32
    %scan3A_1 = arith.constant 0 : i32
    %scan3A_2 = arith.constant 80 : i32
    %scan3A_3 = arith.addi %scan3A_1, %scan3A_2 : i32
    %scan3A_4 = arith.constant 1 : i32
    scf.for %scan3A_7 = %scan3A_1 to %scan3A_3 step %scan3A_4  : i32 {
      "tpu.region"() ({
        %run_scoped3A = tpu.sem_alloc : memref<!tpu.dma_semaphore, #tpu.memory_space<semaphore_mem>>
        %dma_start3A = arith.constant 0 : i32
        %dma_start3A_8 = tpu.memref_slice %arg2[%arg0, %arg1, %scan3A_7, %dma_start3A] : memref<2x16x80x128xi32, #tpu.memory_space<hbm>> -> memref<1x1x1x128xi32, #tpu.memory_space<hbm>>
        %dma_start3A_9 = tpu.memref_squeeze %dma_start3A_8 : memref<1x1x1x128xi32, #tpu.memory_space<hbm>> -> memref<128xi32, #tpu.memory_space<hbm>>
        %dma_start3A_10 = arith.constant 0 : i32
        %dma_start3A_11 = tpu.memref_slice %arg2[%arg0, %arg1, %scan3A_7, %dma_start3A_10] : memref<2x16x80x128xi32, #tpu.memory_space<hbm>> -> memref<1x1x1x128xi32, #tpu.memory_space<hbm>>
        %dma_start3A_12 = tpu.memref_squeeze %dma_start3A_11 : memref<1x1x1x128xi32, #tpu.memory_space<hbm>> -> memref<128xi32, #tpu.memory_space<hbm>>
        tpu.enqueue_dma source(%dma_start3A_12 : memref<128xi32, #tpu.memory_space<hbm>>) target(%arg7 : memref<128xi32, #tpu.memory_space<vmem>>) target_semaphore(%run_scoped3A : memref<!tpu.dma_semaphore, #tpu.memory_space<semaphore_mem>>)
        %dma_wait3A = arith.constant 0 : i32
        %dma_wait3A_13 = tpu.memref_slice %arg2[%arg0, %arg1, %scan3A_7, %dma_wait3A] : memref<2x16x80x128xi32, #tpu.memory_space<hbm>> -> memref<1x1x1x128xi32, #tpu.memory_space<hbm>>
        %dma_wait3A_14 = tpu.memref_squeeze %dma_wait3A_13 : memref<1x1x1x128xi32, #tpu.memory_space<hbm>> -> memref<128xi32, #tpu.memory_space<hbm>>
        %dma_wait3A_15 = arith.constant 0 : i32
        %dma_wait3A_16 = tpu.memref_slice %arg2[%arg0, %arg1, %scan3A_7, %dma_wait3A_15] : memref<2x16x80x128xi32, #tpu.memory_space<hbm>> -> memref<1x1x1x128xi32, #tpu.memory_space<hbm>>
        %dma_wait3A_17 = tpu.memref_squeeze %dma_wait3A_16 : memref<1x1x1x128xi32, #tpu.memory_space<hbm>> -> memref<128xi32, #tpu.memory_space<hbm>>
        tpu.wait_dma2 semaphore(%run_scoped3A : memref<!tpu.dma_semaphore, #tpu.memory_space<semaphore_mem>>) src(%dma_wait3A_17 : memref<128xi32, #tpu.memory_space<hbm>>) dst(%arg7 : memref<128xi32, #tpu.memory_space<vmem>>)
        tpu.yield
      }) : () -> ()
      "tpu.region"() ({
        %run_scoped3A = tpu.sem_alloc : memref<!tpu.dma_semaphore, #tpu.memory_space<semaphore_mem>>
        %dma_start3A = arith.constant 0 : i32
        %dma_start3A_8 = arith.constant 0 : i32
        %dma_start3A_9 = tpu.memref_slice %arg6[%dma_start3A, %dma_start3A_8] : memref<10240x8xf32, #tpu.memory_space<vmem_shared>> -> memref<10240x8xf32, #tpu.memory_space<vmem_shared>>
        tpu.enqueue_indirect_dma source(%arg8 : memref<128x8xf32, #tpu.memory_space<vmem>>) target(%dma_start3A_9 : memref<10240x8xf32, #tpu.memory_space<vmem_shared>>) offsets(%arg7 : memref<128xi32, #tpu.memory_space<vmem>>) semaphore(%run_scoped3A : memref<!tpu.dma_semaphore, #tpu.memory_space<semaphore_mem>>) {add = true}
        %dma_wait3A = arith.constant 0 : i32
        %dma_wait3A_10 = arith.constant 0 : i32
        %dma_wait3A_11 = tpu.memref_slice %arg6[%dma_wait3A, %dma_wait3A_10] : memref<10240x8xf32, #tpu.memory_space<vmem_shared>> -> memref<10240x8xf32, #tpu.memory_space<vmem_shared>>
        tpu.wait_indirect_dma semaphore(%run_scoped3A : memref<!tpu.dma_semaphore, #tpu.memory_space<semaphore_mem>>) src(%arg8 : memref<128x8xf32, #tpu.memory_space<vmem>>) dst(%dma_wait3A_11 : memref<10240x8xf32, #tpu.memory_space<vmem_shared>>)
        tpu.yield
      }) : () -> ()
    }
    %scan3A_5 = arith.constant 80 : i32
    %barrier3A_6 = arith.constant 0 : index
    tpu.barrier barrier_id(%barrier3A_6)
    "tpu.region"() ({
      %run_scoped3A = tpu.sem_alloc : memref<!tpu.dma_semaphore, #tpu.memory_space<semaphore_mem>>
      %dma_start3A = arith.constant 0 : i32
      %dma_start3A_7 = tpu.memref_slice %arg5[%arg0, %mul3A_0, %dma_start3A] : memref<2x10240x8xf32, #tpu.memory_space<hbm>> -> memref<1x640x8xf32, #tpu.memory_space<hbm>>
      %dma_start3A_8 = tpu.memref_squeeze %dma_start3A_7 : memref<1x640x8xf32, #tpu.memory_space<hbm>> -> memref<640x8xf32, #tpu.memory_space<hbm>>
      %dma_start3A_9 = arith.constant 0 : i32
      %dma_start3A_10 = tpu.memref_slice %arg6[%mul3A_0, %dma_start3A_9] : memref<10240x8xf32, #tpu.memory_space<vmem_shared>> -> memref<640x8xf32, #tpu.memory_space<vmem_shared>>
      tpu.enqueue_dma source(%dma_start3A_10 : memref<640x8xf32, #tpu.memory_space<vmem_shared>>) target(%dma_start3A_8 : memref<640x8xf32, #tpu.memory_space<hbm>>) target_semaphore(%run_scoped3A : memref<!tpu.dma_semaphore, #tpu.memory_space<semaphore_mem>>)
      %dma_wait3A = arith.constant 0 : i32
      %dma_wait3A_11 = tpu.memref_slice %arg5[%arg0, %mul3A_0, %dma_wait3A] : memref<2x10240x8xf32, #tpu.memory_space<hbm>> -> memref<1x640x8xf32, #tpu.memory_space<hbm>>
      %dma_wait3A_12 = tpu.memref_squeeze %dma_wait3A_11 : memref<1x640x8xf32, #tpu.memory_space<hbm>> -> memref<640x8xf32, #tpu.memory_space<hbm>>
      %dma_wait3A_13 = arith.constant 0 : i32
      %dma_wait3A_14 = tpu.memref_slice %arg6[%mul3A_0, %dma_wait3A_13] : memref<10240x8xf32, #tpu.memory_space<vmem_shared>> -> memref<640x8xf32, #tpu.memory_space<vmem_shared>>
      tpu.wait_dma2 semaphore(%run_scoped3A : memref<!tpu.dma_semaphore, #tpu.memory_space<semaphore_mem>>) src(%dma_wait3A_14 : memref<640x8xf32, #tpu.memory_space<vmem_shared>>) dst(%dma_wait3A_12 : memref<640x8xf32, #tpu.memory_space<hbm>>)
      tpu.yield
    }) : () -> ()
    return
  }
}

#map = affine_map<(d0, d1) -> (0, 0)>
#map1 = affine_map<(d0, d1) -> (0, 0, 0, 0)>
#map2 = affine_map<(d0, d1) -> (0, 0, 0)>
module attributes {stable_mosaic.version = 14 : i64} {
  func.func @_agg_body(%arg0: i32, %arg1: i32, %arg2: memref<10240x128xf32, #tpu.memory_space<hbm>>, %arg3: memref<2x16x80x128xi32, #tpu.memory_space<hbm>>, %arg4: memref<2x16x80x128xi32, #tpu.memory_space<hbm>>, %arg5: memref<128x128xf32, #tpu.memory_space<hbm>>, %arg6: memref<2x10240x128xf32, #tpu.memory_space<hbm>>, %arg7: memref<10240x128xf32, #tpu.memory_space<vmem_shared>>, %arg8: memref<128xi32, #tpu.memory_space<vmem>>, %arg9: memref<128xi32, #tpu.memory_space<vmem>>, %arg10: memref<128x128xf32, #tpu.memory_space<vmem>>, %arg11: memref<!tpu.dma_semaphore, #tpu.memory_space<semaphore_mem>>) attributes {dimension_semantics = [#tpu.dimension_semantics<core_parallel>, #tpu.dimension_semantics<subcore_parallel>], iteration_bounds = array<i64: 2, 16>, scalar_prefetch = 0 : i64, scratch_operands = 5 : i64, tpu.core_type = #tpu.core_type<sc_vector_subcore>, window_params = [{transform_indices = #map}, {transform_indices = #map1}, {transform_indices = #map1}, {transform_indices = #map}, {transform_indices = #map2}]} {
    %mul3A = arith.constant 640 : i32
    %mul3A_0 = arith.muli %arg1, %mul3A : i32
    %add3A = arith.constant 0 : i32
    %add3A_1 = arith.addi %mul3A_0, %add3A : i32
    "tpu.region"() ({
      %run_scoped3A = tpu.sem_alloc : memref<!tpu.dma_semaphore, #tpu.memory_space<semaphore_mem>>
      %dma_start3A = arith.constant 0 : i32
      %dma_start3A_16 = tpu.memref_slice %arg7[%add3A_1, %dma_start3A] : memref<10240x128xf32, #tpu.memory_space<vmem_shared>> -> memref<128x128xf32, #tpu.memory_space<vmem_shared>>
      tpu.enqueue_dma source(%arg5 : memref<128x128xf32, #tpu.memory_space<hbm>>) target(%dma_start3A_16 : memref<128x128xf32, #tpu.memory_space<vmem_shared>>) target_semaphore(%run_scoped3A : memref<!tpu.dma_semaphore, #tpu.memory_space<semaphore_mem>>)
      %dma_wait3A = arith.constant 0 : i32
      %dma_wait3A_17 = tpu.memref_slice %arg7[%add3A_1, %dma_wait3A] : memref<10240x128xf32, #tpu.memory_space<vmem_shared>> -> memref<128x128xf32, #tpu.memory_space<vmem_shared>>
      tpu.wait_dma2 semaphore(%run_scoped3A : memref<!tpu.dma_semaphore, #tpu.memory_space<semaphore_mem>>) src(%arg5 : memref<128x128xf32, #tpu.memory_space<hbm>>) dst(%dma_wait3A_17 : memref<128x128xf32, #tpu.memory_space<vmem_shared>>)
      tpu.yield
    }) : () -> ()
    %add3A_2 = arith.constant 128 : i32
    %add3A_3 = arith.addi %mul3A_0, %add3A_2 : i32
    "tpu.region"() ({
      %run_scoped3A = tpu.sem_alloc : memref<!tpu.dma_semaphore, #tpu.memory_space<semaphore_mem>>
      %dma_start3A = arith.constant 0 : i32
      %dma_start3A_16 = tpu.memref_slice %arg7[%add3A_3, %dma_start3A] : memref<10240x128xf32, #tpu.memory_space<vmem_shared>> -> memref<128x128xf32, #tpu.memory_space<vmem_shared>>
      tpu.enqueue_dma source(%arg5 : memref<128x128xf32, #tpu.memory_space<hbm>>) target(%dma_start3A_16 : memref<128x128xf32, #tpu.memory_space<vmem_shared>>) target_semaphore(%run_scoped3A : memref<!tpu.dma_semaphore, #tpu.memory_space<semaphore_mem>>)
      %dma_wait3A = arith.constant 0 : i32
      %dma_wait3A_17 = tpu.memref_slice %arg7[%add3A_3, %dma_wait3A] : memref<10240x128xf32, #tpu.memory_space<vmem_shared>> -> memref<128x128xf32, #tpu.memory_space<vmem_shared>>
      tpu.wait_dma2 semaphore(%run_scoped3A : memref<!tpu.dma_semaphore, #tpu.memory_space<semaphore_mem>>) src(%arg5 : memref<128x128xf32, #tpu.memory_space<hbm>>) dst(%dma_wait3A_17 : memref<128x128xf32, #tpu.memory_space<vmem_shared>>)
      tpu.yield
    }) : () -> ()
    %add3A_4 = arith.constant 256 : i32
    %add3A_5 = arith.addi %mul3A_0, %add3A_4 : i32
    "tpu.region"() ({
      %run_scoped3A = tpu.sem_alloc : memref<!tpu.dma_semaphore, #tpu.memory_space<semaphore_mem>>
      %dma_start3A = arith.constant 0 : i32
      %dma_start3A_16 = tpu.memref_slice %arg7[%add3A_5, %dma_start3A] : memref<10240x128xf32, #tpu.memory_space<vmem_shared>> -> memref<128x128xf32, #tpu.memory_space<vmem_shared>>
      tpu.enqueue_dma source(%arg5 : memref<128x128xf32, #tpu.memory_space<hbm>>) target(%dma_start3A_16 : memref<128x128xf32, #tpu.memory_space<vmem_shared>>) target_semaphore(%run_scoped3A : memref<!tpu.dma_semaphore, #tpu.memory_space<semaphore_mem>>)
      %dma_wait3A = arith.constant 0 : i32
      %dma_wait3A_17 = tpu.memref_slice %arg7[%add3A_5, %dma_wait3A] : memref<10240x128xf32, #tpu.memory_space<vmem_shared>> -> memref<128x128xf32, #tpu.memory_space<vmem_shared>>
      tpu.wait_dma2 semaphore(%run_scoped3A : memref<!tpu.dma_semaphore, #tpu.memory_space<semaphore_mem>>) src(%arg5 : memref<128x128xf32, #tpu.memory_space<hbm>>) dst(%dma_wait3A_17 : memref<128x128xf32, #tpu.memory_space<vmem_shared>>)
      tpu.yield
    }) : () -> ()
    %add3A_6 = arith.constant 384 : i32
    %add3A_7 = arith.addi %mul3A_0, %add3A_6 : i32
    "tpu.region"() ({
      %run_scoped3A = tpu.sem_alloc : memref<!tpu.dma_semaphore, #tpu.memory_space<semaphore_mem>>
      %dma_start3A = arith.constant 0 : i32
      %dma_start3A_16 = tpu.memref_slice %arg7[%add3A_7, %dma_start3A] : memref<10240x128xf32, #tpu.memory_space<vmem_shared>> -> memref<128x128xf32, #tpu.memory_space<vmem_shared>>
      tpu.enqueue_dma source(%arg5 : memref<128x128xf32, #tpu.memory_space<hbm>>) target(%dma_start3A_16 : memref<128x128xf32, #tpu.memory_space<vmem_shared>>) target_semaphore(%run_scoped3A : memref<!tpu.dma_semaphore, #tpu.memory_space<semaphore_mem>>)
      %dma_wait3A = arith.constant 0 : i32
      %dma_wait3A_17 = tpu.memref_slice %arg7[%add3A_7, %dma_wait3A] : memref<10240x128xf32, #tpu.memory_space<vmem_shared>> -> memref<128x128xf32, #tpu.memory_space<vmem_shared>>
      tpu.wait_dma2 semaphore(%run_scoped3A : memref<!tpu.dma_semaphore, #tpu.memory_space<semaphore_mem>>) src(%arg5 : memref<128x128xf32, #tpu.memory_space<hbm>>) dst(%dma_wait3A_17 : memref<128x128xf32, #tpu.memory_space<vmem_shared>>)
      tpu.yield
    }) : () -> ()
    %add3A_8 = arith.constant 512 : i32
    %add3A_9 = arith.addi %mul3A_0, %add3A_8 : i32
    "tpu.region"() ({
      %run_scoped3A = tpu.sem_alloc : memref<!tpu.dma_semaphore, #tpu.memory_space<semaphore_mem>>
      %dma_start3A = arith.constant 0 : i32
      %dma_start3A_16 = tpu.memref_slice %arg7[%add3A_9, %dma_start3A] : memref<10240x128xf32, #tpu.memory_space<vmem_shared>> -> memref<128x128xf32, #tpu.memory_space<vmem_shared>>
      tpu.enqueue_dma source(%arg5 : memref<128x128xf32, #tpu.memory_space<hbm>>) target(%dma_start3A_16 : memref<128x128xf32, #tpu.memory_space<vmem_shared>>) target_semaphore(%run_scoped3A : memref<!tpu.dma_semaphore, #tpu.memory_space<semaphore_mem>>)
      %dma_wait3A = arith.constant 0 : i32
      %dma_wait3A_17 = tpu.memref_slice %arg7[%add3A_9, %dma_wait3A] : memref<10240x128xf32, #tpu.memory_space<vmem_shared>> -> memref<128x128xf32, #tpu.memory_space<vmem_shared>>
      tpu.wait_dma2 semaphore(%run_scoped3A : memref<!tpu.dma_semaphore, #tpu.memory_space<semaphore_mem>>) src(%arg5 : memref<128x128xf32, #tpu.memory_space<hbm>>) dst(%dma_wait3A_17 : memref<128x128xf32, #tpu.memory_space<vmem_shared>>)
      tpu.yield
    }) : () -> ()
    %barrier3A = arith.constant 0 : index
    tpu.barrier barrier_id(%barrier3A)
    %scan3A = arith.constant 0 : i32
    %scan3A_10 = arith.constant 0 : i32
    %scan3A_11 = arith.constant 80 : i32
    %scan3A_12 = arith.addi %scan3A_10, %scan3A_11 : i32
    %scan3A_13 = arith.constant 1 : i32
    scf.for %scan3A_16 = %scan3A_10 to %scan3A_12 step %scan3A_13  : i32 {
      "tpu.region"() ({
        %run_scoped3A = tpu.sem_alloc : memref<!tpu.dma_semaphore, #tpu.memory_space<semaphore_mem>>
        %dma_start3A_21 = arith.constant 0 : i32
        %dma_start3A_22 = tpu.memref_slice %arg3[%arg0, %arg1, %scan3A_16, %dma_start3A_21] : memref<2x16x80x128xi32, #tpu.memory_space<hbm>> -> memref<1x1x1x128xi32, #tpu.memory_space<hbm>>
        %dma_start3A_23 = tpu.memref_squeeze %dma_start3A_22 : memref<1x1x1x128xi32, #tpu.memory_space<hbm>> -> memref<128xi32, #tpu.memory_space<hbm>>
        %dma_start3A_24 = arith.constant 0 : i32
        %dma_start3A_25 = tpu.memref_slice %arg3[%arg0, %arg1, %scan3A_16, %dma_start3A_24] : memref<2x16x80x128xi32, #tpu.memory_space<hbm>> -> memref<1x1x1x128xi32, #tpu.memory_space<hbm>>
        %dma_start3A_26 = tpu.memref_squeeze %dma_start3A_25 : memref<1x1x1x128xi32, #tpu.memory_space<hbm>> -> memref<128xi32, #tpu.memory_space<hbm>>
        tpu.enqueue_dma source(%dma_start3A_26 : memref<128xi32, #tpu.memory_space<hbm>>) target(%arg8 : memref<128xi32, #tpu.memory_space<vmem>>) target_semaphore(%run_scoped3A : memref<!tpu.dma_semaphore, #tpu.memory_space<semaphore_mem>>)
        %dma_wait3A_27 = arith.constant 0 : i32
        %dma_wait3A_28 = tpu.memref_slice %arg3[%arg0, %arg1, %scan3A_16, %dma_wait3A_27] : memref<2x16x80x128xi32, #tpu.memory_space<hbm>> -> memref<1x1x1x128xi32, #tpu.memory_space<hbm>>
        %dma_wait3A_29 = tpu.memref_squeeze %dma_wait3A_28 : memref<1x1x1x128xi32, #tpu.memory_space<hbm>> -> memref<128xi32, #tpu.memory_space<hbm>>
        %dma_wait3A_30 = arith.constant 0 : i32
        %dma_wait3A_31 = tpu.memref_slice %arg3[%arg0, %arg1, %scan3A_16, %dma_wait3A_30] : memref<2x16x80x128xi32, #tpu.memory_space<hbm>> -> memref<1x1x1x128xi32, #tpu.memory_space<hbm>>
        %dma_wait3A_32 = tpu.memref_squeeze %dma_wait3A_31 : memref<1x1x1x128xi32, #tpu.memory_space<hbm>> -> memref<128xi32, #tpu.memory_space<hbm>>
        tpu.wait_dma2 semaphore(%run_scoped3A : memref<!tpu.dma_semaphore, #tpu.memory_space<semaphore_mem>>) src(%dma_wait3A_32 : memref<128xi32, #tpu.memory_space<hbm>>) dst(%arg8 : memref<128xi32, #tpu.memory_space<vmem>>)
        tpu.yield
      }) : () -> ()
      "tpu.region"() ({
        %run_scoped3A = tpu.sem_alloc : memref<!tpu.dma_semaphore, #tpu.memory_space<semaphore_mem>>
        %dma_start3A_21 = arith.constant 0 : i32
        %dma_start3A_22 = tpu.memref_slice %arg4[%arg0, %arg1, %scan3A_16, %dma_start3A_21] : memref<2x16x80x128xi32, #tpu.memory_space<hbm>> -> memref<1x1x1x128xi32, #tpu.memory_space<hbm>>
        %dma_start3A_23 = tpu.memref_squeeze %dma_start3A_22 : memref<1x1x1x128xi32, #tpu.memory_space<hbm>> -> memref<128xi32, #tpu.memory_space<hbm>>
        %dma_start3A_24 = arith.constant 0 : i32
        %dma_start3A_25 = tpu.memref_slice %arg4[%arg0, %arg1, %scan3A_16, %dma_start3A_24] : memref<2x16x80x128xi32, #tpu.memory_space<hbm>> -> memref<1x1x1x128xi32, #tpu.memory_space<hbm>>
        %dma_start3A_26 = tpu.memref_squeeze %dma_start3A_25 : memref<1x1x1x128xi32, #tpu.memory_space<hbm>> -> memref<128xi32, #tpu.memory_space<hbm>>
        tpu.enqueue_dma source(%dma_start3A_26 : memref<128xi32, #tpu.memory_space<hbm>>) target(%arg9 : memref<128xi32, #tpu.memory_space<vmem>>) target_semaphore(%run_scoped3A : memref<!tpu.dma_semaphore, #tpu.memory_space<semaphore_mem>>)
        %dma_wait3A_27 = arith.constant 0 : i32
        %dma_wait3A_28 = tpu.memref_slice %arg4[%arg0, %arg1, %scan3A_16, %dma_wait3A_27] : memref<2x16x80x128xi32, #tpu.memory_space<hbm>> -> memref<1x1x1x128xi32, #tpu.memory_space<hbm>>
        %dma_wait3A_29 = tpu.memref_squeeze %dma_wait3A_28 : memref<1x1x1x128xi32, #tpu.memory_space<hbm>> -> memref<128xi32, #tpu.memory_space<hbm>>
        %dma_wait3A_30 = arith.constant 0 : i32
        %dma_wait3A_31 = tpu.memref_slice %arg4[%arg0, %arg1, %scan3A_16, %dma_wait3A_30] : memref<2x16x80x128xi32, #tpu.memory_space<hbm>> -> memref<1x1x1x128xi32, #tpu.memory_space<hbm>>
        %dma_wait3A_32 = tpu.memref_squeeze %dma_wait3A_31 : memref<1x1x1x128xi32, #tpu.memory_space<hbm>> -> memref<128xi32, #tpu.memory_space<hbm>>
        tpu.wait_dma2 semaphore(%run_scoped3A : memref<!tpu.dma_semaphore, #tpu.memory_space<semaphore_mem>>) src(%dma_wait3A_32 : memref<128xi32, #tpu.memory_space<hbm>>) dst(%arg9 : memref<128xi32, #tpu.memory_space<vmem>>)
        tpu.yield
      }) : () -> ()
      %dma_start3A = arith.constant 0 : i32
      %dma_start3A_17 = arith.constant 0 : i32
      %dma_start3A_18 = tpu.memref_slice %arg2[%dma_start3A, %dma_start3A_17] : memref<10240x128xf32, #tpu.memory_space<hbm>> -> memref<10240x128xf32, #tpu.memory_space<hbm>>
      tpu.enqueue_indirect_dma source(%dma_start3A_18 : memref<10240x128xf32, #tpu.memory_space<hbm>>) target(%arg10 : memref<128x128xf32, #tpu.memory_space<vmem>>) offsets(%arg8 : memref<128xi32, #tpu.memory_space<vmem>>) semaphore(%arg11 : memref<!tpu.dma_semaphore, #tpu.memory_space<semaphore_mem>>)
      %dma_wait3A = arith.constant 0 : i32
      %dma_wait3A_19 = arith.constant 0 : i32
      %dma_wait3A_20 = tpu.memref_slice %arg2[%dma_wait3A, %dma_wait3A_19] : memref<10240x128xf32, #tpu.memory_space<hbm>> -> memref<10240x128xf32, #tpu.memory_space<hbm>>
      tpu.wait_indirect_dma semaphore(%arg11 : memref<!tpu.dma_semaphore, #tpu.memory_space<semaphore_mem>>) src(%dma_wait3A_20 : memref<10240x128xf32, #tpu.memory_space<hbm>>) dst(%arg10 : memref<128x128xf32, #tpu.memory_space<vmem>>)
      "tpu.region"() ({
        %run_scoped3A = tpu.sem_alloc : memref<!tpu.dma_semaphore, #tpu.memory_space<semaphore_mem>>
        %dma_start3A_21 = arith.constant 0 : i32
        %dma_start3A_22 = arith.constant 0 : i32
        %dma_start3A_23 = tpu.memref_slice %arg7[%dma_start3A_21, %dma_start3A_22] : memref<10240x128xf32, #tpu.memory_space<vmem_shared>> -> memref<10240x128xf32, #tpu.memory_space<vmem_shared>>
        tpu.enqueue_indirect_dma source(%arg10 : memref<128x128xf32, #tpu.memory_space<vmem>>) target(%dma_start3A_23 : memref<10240x128xf32, #tpu.memory_space<vmem_shared>>) offsets(%arg9 : memref<128xi32, #tpu.memory_space<vmem>>) semaphore(%run_scoped3A : memref<!tpu.dma_semaphore, #tpu.memory_space<semaphore_mem>>) {add = true}
        %dma_wait3A_24 = arith.constant 0 : i32
        %dma_wait3A_25 = arith.constant 0 : i32
        %dma_wait3A_26 = tpu.memref_slice %arg7[%dma_wait3A_24, %dma_wait3A_25] : memref<10240x128xf32, #tpu.memory_space<vmem_shared>> -> memref<10240x128xf32, #tpu.memory_space<vmem_shared>>
        tpu.wait_indirect_dma semaphore(%run_scoped3A : memref<!tpu.dma_semaphore, #tpu.memory_space<semaphore_mem>>) src(%arg10 : memref<128x128xf32, #tpu.memory_space<vmem>>) dst(%dma_wait3A_26 : memref<10240x128xf32, #tpu.memory_space<vmem_shared>>)
        tpu.yield
      }) : () -> ()
    }
    %scan3A_14 = arith.constant 80 : i32
    %barrier3A_15 = arith.constant 0 : index
    tpu.barrier barrier_id(%barrier3A_15)
    "tpu.region"() ({
      %run_scoped3A = tpu.sem_alloc : memref<!tpu.dma_semaphore, #tpu.memory_space<semaphore_mem>>
      %dma_start3A = arith.constant 0 : i32
      %dma_start3A_16 = tpu.memref_slice %arg6[%arg0, %mul3A_0, %dma_start3A] : memref<2x10240x128xf32, #tpu.memory_space<hbm>> -> memref<1x640x128xf32, #tpu.memory_space<hbm>>
      %dma_start3A_17 = tpu.memref_squeeze %dma_start3A_16 : memref<1x640x128xf32, #tpu.memory_space<hbm>> -> memref<640x128xf32, #tpu.memory_space<hbm>>
      %dma_start3A_18 = arith.constant 0 : i32
      %dma_start3A_19 = tpu.memref_slice %arg7[%mul3A_0, %dma_start3A_18] : memref<10240x128xf32, #tpu.memory_space<vmem_shared>> -> memref<640x128xf32, #tpu.memory_space<vmem_shared>>
      tpu.enqueue_dma source(%dma_start3A_19 : memref<640x128xf32, #tpu.memory_space<vmem_shared>>) target(%dma_start3A_17 : memref<640x128xf32, #tpu.memory_space<hbm>>) target_semaphore(%run_scoped3A : memref<!tpu.dma_semaphore, #tpu.memory_space<semaphore_mem>>)
      %dma_wait3A = arith.constant 0 : i32
      %dma_wait3A_20 = tpu.memref_slice %arg6[%arg0, %mul3A_0, %dma_wait3A] : memref<2x10240x128xf32, #tpu.memory_space<hbm>> -> memref<1x640x128xf32, #tpu.memory_space<hbm>>
      %dma_wait3A_21 = tpu.memref_squeeze %dma_wait3A_20 : memref<1x640x128xf32, #tpu.memory_space<hbm>> -> memref<640x128xf32, #tpu.memory_space<hbm>>
      %dma_wait3A_22 = arith.constant 0 : i32
      %dma_wait3A_23 = tpu.memref_slice %arg7[%mul3A_0, %dma_wait3A_22] : memref<10240x128xf32, #tpu.memory_space<vmem_shared>> -> memref<640x128xf32, #tpu.memory_space<vmem_shared>>
      tpu.wait_dma2 semaphore(%run_scoped3A : memref<!tpu.dma_semaphore, #tpu.memory_space<semaphore_mem>>) src(%dma_wait3A_23 : memref<640x128xf32, #tpu.memory_space<vmem_shared>>) dst(%dma_wait3A_21 : memref<640x128xf32, #tpu.memory_space<hbm>>)
      tpu.yield
    }) : () -> ()
    return
  }
}

#map = affine_map<(d0, d1) -> (0, 0)>
#map1 = affine_map<(d0, d1) -> (0, 0, 0, 0)>
#map2 = affine_map<(d0, d1) -> (0, 0, 0)>
module attributes {stable_mosaic.version = 14 : i64} {
  func.func @_agg_body(%arg0: i32, %arg1: i32, %arg2: memref<10240x128xf32, #tpu.memory_space<hbm>>, %arg3: memref<2x16x80x128xi32, #tpu.memory_space<hbm>>, %arg4: memref<2x16x80x128xi32, #tpu.memory_space<hbm>>, %arg5: memref<128x128xf32, #tpu.memory_space<hbm>>, %arg6: memref<2x10240x128xf32, #tpu.memory_space<hbm>>, %arg7: memref<10240x128xf32, #tpu.memory_space<vmem_shared>>, %arg8: memref<128xi32, #tpu.memory_space<vmem>>, %arg9: memref<128xi32, #tpu.memory_space<vmem>>, %arg10: memref<128x128xf32, #tpu.memory_space<vmem>>, %arg11: memref<!tpu.dma_semaphore, #tpu.memory_space<semaphore_mem>>) attributes {dimension_semantics = [#tpu.dimension_semantics<core_parallel>, #tpu.dimension_semantics<subcore_parallel>], iteration_bounds = array<i64: 2, 16>, scalar_prefetch = 0 : i64, scratch_operands = 5 : i64, tpu.core_type = #tpu.core_type<sc_vector_subcore>, window_params = [{transform_indices = #map}, {transform_indices = #map1}, {transform_indices = #map1}, {transform_indices = #map}, {transform_indices = #map2}]} {
    %mul3A = arith.constant 640 : i32
    %mul3A_0 = arith.muli %arg1, %mul3A : i32
    %add3A = arith.constant 0 : i32
    %add3A_1 = arith.addi %mul3A_0, %add3A : i32
    "tpu.region"() ({
      %run_scoped3A = tpu.sem_alloc : memref<!tpu.dma_semaphore, #tpu.memory_space<semaphore_mem>>
      %dma_start3A = arith.constant 0 : i32
      %dma_start3A_16 = tpu.memref_slice %arg7[%add3A_1, %dma_start3A] : memref<10240x128xf32, #tpu.memory_space<vmem_shared>> -> memref<128x128xf32, #tpu.memory_space<vmem_shared>>
      tpu.enqueue_dma source(%arg5 : memref<128x128xf32, #tpu.memory_space<hbm>>) target(%dma_start3A_16 : memref<128x128xf32, #tpu.memory_space<vmem_shared>>) target_semaphore(%run_scoped3A : memref<!tpu.dma_semaphore, #tpu.memory_space<semaphore_mem>>)
      %dma_wait3A = arith.constant 0 : i32
      %dma_wait3A_17 = tpu.memref_slice %arg7[%add3A_1, %dma_wait3A] : memref<10240x128xf32, #tpu.memory_space<vmem_shared>> -> memref<128x128xf32, #tpu.memory_space<vmem_shared>>
      tpu.wait_dma2 semaphore(%run_scoped3A : memref<!tpu.dma_semaphore, #tpu.memory_space<semaphore_mem>>) src(%arg5 : memref<128x128xf32, #tpu.memory_space<hbm>>) dst(%dma_wait3A_17 : memref<128x128xf32, #tpu.memory_space<vmem_shared>>)
      tpu.yield
    }) : () -> ()
    %add3A_2 = arith.constant 128 : i32
    %add3A_3 = arith.addi %mul3A_0, %add3A_2 : i32
    "tpu.region"() ({
      %run_scoped3A = tpu.sem_alloc : memref<!tpu.dma_semaphore, #tpu.memory_space<semaphore_mem>>
      %dma_start3A = arith.constant 0 : i32
      %dma_start3A_16 = tpu.memref_slice %arg7[%add3A_3, %dma_start3A] : memref<10240x128xf32, #tpu.memory_space<vmem_shared>> -> memref<128x128xf32, #tpu.memory_space<vmem_shared>>
      tpu.enqueue_dma source(%arg5 : memref<128x128xf32, #tpu.memory_space<hbm>>) target(%dma_start3A_16 : memref<128x128xf32, #tpu.memory_space<vmem_shared>>) target_semaphore(%run_scoped3A : memref<!tpu.dma_semaphore, #tpu.memory_space<semaphore_mem>>)
      %dma_wait3A = arith.constant 0 : i32
      %dma_wait3A_17 = tpu.memref_slice %arg7[%add3A_3, %dma_wait3A] : memref<10240x128xf32, #tpu.memory_space<vmem_shared>> -> memref<128x128xf32, #tpu.memory_space<vmem_shared>>
      tpu.wait_dma2 semaphore(%run_scoped3A : memref<!tpu.dma_semaphore, #tpu.memory_space<semaphore_mem>>) src(%arg5 : memref<128x128xf32, #tpu.memory_space<hbm>>) dst(%dma_wait3A_17 : memref<128x128xf32, #tpu.memory_space<vmem_shared>>)
      tpu.yield
    }) : () -> ()
    %add3A_4 = arith.constant 256 : i32
    %add3A_5 = arith.addi %mul3A_0, %add3A_4 : i32
    "tpu.region"() ({
      %run_scoped3A = tpu.sem_alloc : memref<!tpu.dma_semaphore, #tpu.memory_space<semaphore_mem>>
      %dma_start3A = arith.constant 0 : i32
      %dma_start3A_16 = tpu.memref_slice %arg7[%add3A_5, %dma_start3A] : memref<10240x128xf32, #tpu.memory_space<vmem_shared>> -> memref<128x128xf32, #tpu.memory_space<vmem_shared>>
      tpu.enqueue_dma source(%arg5 : memref<128x128xf32, #tpu.memory_space<hbm>>) target(%dma_start3A_16 : memref<128x128xf32, #tpu.memory_space<vmem_shared>>) target_semaphore(%run_scoped3A : memref<!tpu.dma_semaphore, #tpu.memory_space<semaphore_mem>>)
      %dma_wait3A = arith.constant 0 : i32
      %dma_wait3A_17 = tpu.memref_slice %arg7[%add3A_5, %dma_wait3A] : memref<10240x128xf32, #tpu.memory_space<vmem_shared>> -> memref<128x128xf32, #tpu.memory_space<vmem_shared>>
      tpu.wait_dma2 semaphore(%run_scoped3A : memref<!tpu.dma_semaphore, #tpu.memory_space<semaphore_mem>>) src(%arg5 : memref<128x128xf32, #tpu.memory_space<hbm>>) dst(%dma_wait3A_17 : memref<128x128xf32, #tpu.memory_space<vmem_shared>>)
      tpu.yield
    }) : () -> ()
    %add3A_6 = arith.constant 384 : i32
    %add3A_7 = arith.addi %mul3A_0, %add3A_6 : i32
    "tpu.region"() ({
      %run_scoped3A = tpu.sem_alloc : memref<!tpu.dma_semaphore, #tpu.memory_space<semaphore_mem>>
      %dma_start3A = arith.constant 0 : i32
      %dma_start3A_16 = tpu.memref_slice %arg7[%add3A_7, %dma_start3A] : memref<10240x128xf32, #tpu.memory_space<vmem_shared>> -> memref<128x128xf32, #tpu.memory_space<vmem_shared>>
      tpu.enqueue_dma source(%arg5 : memref<128x128xf32, #tpu.memory_space<hbm>>) target(%dma_start3A_16 : memref<128x128xf32, #tpu.memory_space<vmem_shared>>) target_semaphore(%run_scoped3A : memref<!tpu.dma_semaphore, #tpu.memory_space<semaphore_mem>>)
      %dma_wait3A = arith.constant 0 : i32
      %dma_wait3A_17 = tpu.memref_slice %arg7[%add3A_7, %dma_wait3A] : memref<10240x128xf32, #tpu.memory_space<vmem_shared>> -> memref<128x128xf32, #tpu.memory_space<vmem_shared>>
      tpu.wait_dma2 semaphore(%run_scoped3A : memref<!tpu.dma_semaphore, #tpu.memory_space<semaphore_mem>>) src(%arg5 : memref<128x128xf32, #tpu.memory_space<hbm>>) dst(%dma_wait3A_17 : memref<128x128xf32, #tpu.memory_space<vmem_shared>>)
      tpu.yield
    }) : () -> ()
    %add3A_8 = arith.constant 512 : i32
    %add3A_9 = arith.addi %mul3A_0, %add3A_8 : i32
    "tpu.region"() ({
      %run_scoped3A = tpu.sem_alloc : memref<!tpu.dma_semaphore, #tpu.memory_space<semaphore_mem>>
      %dma_start3A = arith.constant 0 : i32
      %dma_start3A_16 = tpu.memref_slice %arg7[%add3A_9, %dma_start3A] : memref<10240x128xf32, #tpu.memory_space<vmem_shared>> -> memref<128x128xf32, #tpu.memory_space<vmem_shared>>
      tpu.enqueue_dma source(%arg5 : memref<128x128xf32, #tpu.memory_space<hbm>>) target(%dma_start3A_16 : memref<128x128xf32, #tpu.memory_space<vmem_shared>>) target_semaphore(%run_scoped3A : memref<!tpu.dma_semaphore, #tpu.memory_space<semaphore_mem>>)
      %dma_wait3A = arith.constant 0 : i32
      %dma_wait3A_17 = tpu.memref_slice %arg7[%add3A_9, %dma_wait3A] : memref<10240x128xf32, #tpu.memory_space<vmem_shared>> -> memref<128x128xf32, #tpu.memory_space<vmem_shared>>
      tpu.wait_dma2 semaphore(%run_scoped3A : memref<!tpu.dma_semaphore, #tpu.memory_space<semaphore_mem>>) src(%arg5 : memref<128x128xf32, #tpu.memory_space<hbm>>) dst(%dma_wait3A_17 : memref<128x128xf32, #tpu.memory_space<vmem_shared>>)
      tpu.yield
    }) : () -> ()
    %barrier3A = arith.constant 0 : index
    tpu.barrier barrier_id(%barrier3A)
    %scan3A = arith.constant 0 : i32
    %scan3A_10 = arith.constant 0 : i32
    %scan3A_11 = arith.constant 80 : i32
    %scan3A_12 = arith.addi %scan3A_10, %scan3A_11 : i32
    %scan3A_13 = arith.constant 1 : i32
    scf.for %scan3A_16 = %scan3A_10 to %scan3A_12 step %scan3A_13  : i32 {
      "tpu.region"() ({
        %run_scoped3A = tpu.sem_alloc : memref<!tpu.dma_semaphore, #tpu.memory_space<semaphore_mem>>
        %dma_start3A_21 = arith.constant 0 : i32
        %dma_start3A_22 = tpu.memref_slice %arg3[%arg0, %arg1, %scan3A_16, %dma_start3A_21] : memref<2x16x80x128xi32, #tpu.memory_space<hbm>> -> memref<1x1x1x128xi32, #tpu.memory_space<hbm>>
        %dma_start3A_23 = tpu.memref_squeeze %dma_start3A_22 : memref<1x1x1x128xi32, #tpu.memory_space<hbm>> -> memref<128xi32, #tpu.memory_space<hbm>>
        %dma_start3A_24 = arith.constant 0 : i32
        %dma_start3A_25 = tpu.memref_slice %arg3[%arg0, %arg1, %scan3A_16, %dma_start3A_24] : memref<2x16x80x128xi32, #tpu.memory_space<hbm>> -> memref<1x1x1x128xi32, #tpu.memory_space<hbm>>
        %dma_start3A_26 = tpu.memref_squeeze %dma_start3A_25 : memref<1x1x1x128xi32, #tpu.memory_space<hbm>> -> memref<128xi32, #tpu.memory_space<hbm>>
        tpu.enqueue_dma source(%dma_start3A_26 : memref<128xi32, #tpu.memory_space<hbm>>) target(%arg8 : memref<128xi32, #tpu.memory_space<vmem>>) target_semaphore(%run_scoped3A : memref<!tpu.dma_semaphore, #tpu.memory_space<semaphore_mem>>)
        %dma_wait3A_27 = arith.constant 0 : i32
        %dma_wait3A_28 = tpu.memref_slice %arg3[%arg0, %arg1, %scan3A_16, %dma_wait3A_27] : memref<2x16x80x128xi32, #tpu.memory_space<hbm>> -> memref<1x1x1x128xi32, #tpu.memory_space<hbm>>
        %dma_wait3A_29 = tpu.memref_squeeze %dma_wait3A_28 : memref<1x1x1x128xi32, #tpu.memory_space<hbm>> -> memref<128xi32, #tpu.memory_space<hbm>>
        %dma_wait3A_30 = arith.constant 0 : i32
        %dma_wait3A_31 = tpu.memref_slice %arg3[%arg0, %arg1, %scan3A_16, %dma_wait3A_30] : memref<2x16x80x128xi32, #tpu.memory_space<hbm>> -> memref<1x1x1x128xi32, #tpu.memory_space<hbm>>
        %dma_wait3A_32 = tpu.memref_squeeze %dma_wait3A_31 : memref<1x1x1x128xi32, #tpu.memory_space<hbm>> -> memref<128xi32, #tpu.memory_space<hbm>>
        tpu.wait_dma2 semaphore(%run_scoped3A : memref<!tpu.dma_semaphore, #tpu.memory_space<semaphore_mem>>) src(%dma_wait3A_32 : memref<128xi32, #tpu.memory_space<hbm>>) dst(%arg8 : memref<128xi32, #tpu.memory_space<vmem>>)
        tpu.yield
      }) : () -> ()
      "tpu.region"() ({
        %run_scoped3A = tpu.sem_alloc : memref<!tpu.dma_semaphore, #tpu.memory_space<semaphore_mem>>
        %dma_start3A_21 = arith.constant 0 : i32
        %dma_start3A_22 = tpu.memref_slice %arg4[%arg0, %arg1, %scan3A_16, %dma_start3A_21] : memref<2x16x80x128xi32, #tpu.memory_space<hbm>> -> memref<1x1x1x128xi32, #tpu.memory_space<hbm>>
        %dma_start3A_23 = tpu.memref_squeeze %dma_start3A_22 : memref<1x1x1x128xi32, #tpu.memory_space<hbm>> -> memref<128xi32, #tpu.memory_space<hbm>>
        %dma_start3A_24 = arith.constant 0 : i32
        %dma_start3A_25 = tpu.memref_slice %arg4[%arg0, %arg1, %scan3A_16, %dma_start3A_24] : memref<2x16x80x128xi32, #tpu.memory_space<hbm>> -> memref<1x1x1x128xi32, #tpu.memory_space<hbm>>
        %dma_start3A_26 = tpu.memref_squeeze %dma_start3A_25 : memref<1x1x1x128xi32, #tpu.memory_space<hbm>> -> memref<128xi32, #tpu.memory_space<hbm>>
        tpu.enqueue_dma source(%dma_start3A_26 : memref<128xi32, #tpu.memory_space<hbm>>) target(%arg9 : memref<128xi32, #tpu.memory_space<vmem>>) target_semaphore(%run_scoped3A : memref<!tpu.dma_semaphore, #tpu.memory_space<semaphore_mem>>)
        %dma_wait3A_27 = arith.constant 0 : i32
        %dma_wait3A_28 = tpu.memref_slice %arg4[%arg0, %arg1, %scan3A_16, %dma_wait3A_27] : memref<2x16x80x128xi32, #tpu.memory_space<hbm>> -> memref<1x1x1x128xi32, #tpu.memory_space<hbm>>
        %dma_wait3A_29 = tpu.memref_squeeze %dma_wait3A_28 : memref<1x1x1x128xi32, #tpu.memory_space<hbm>> -> memref<128xi32, #tpu.memory_space<hbm>>
        %dma_wait3A_30 = arith.constant 0 : i32
        %dma_wait3A_31 = tpu.memref_slice %arg4[%arg0, %arg1, %scan3A_16, %dma_wait3A_30] : memref<2x16x80x128xi32, #tpu.memory_space<hbm>> -> memref<1x1x1x128xi32, #tpu.memory_space<hbm>>
        %dma_wait3A_32 = tpu.memref_squeeze %dma_wait3A_31 : memref<1x1x1x128xi32, #tpu.memory_space<hbm>> -> memref<128xi32, #tpu.memory_space<hbm>>
        tpu.wait_dma2 semaphore(%run_scoped3A : memref<!tpu.dma_semaphore, #tpu.memory_space<semaphore_mem>>) src(%dma_wait3A_32 : memref<128xi32, #tpu.memory_space<hbm>>) dst(%arg9 : memref<128xi32, #tpu.memory_space<vmem>>)
        tpu.yield
      }) : () -> ()
      %dma_start3A = arith.constant 0 : i32
      %dma_start3A_17 = arith.constant 0 : i32
      %dma_start3A_18 = tpu.memref_slice %arg2[%dma_start3A, %dma_start3A_17] : memref<10240x128xf32, #tpu.memory_space<hbm>> -> memref<10240x128xf32, #tpu.memory_space<hbm>>
      tpu.enqueue_indirect_dma source(%dma_start3A_18 : memref<10240x128xf32, #tpu.memory_space<hbm>>) target(%arg10 : memref<128x128xf32, #tpu.memory_space<vmem>>) offsets(%arg8 : memref<128xi32, #tpu.memory_space<vmem>>) semaphore(%arg11 : memref<!tpu.dma_semaphore, #tpu.memory_space<semaphore_mem>>)
      %dma_wait3A = arith.constant 0 : i32
      %dma_wait3A_19 = arith.constant 0 : i32
      %dma_wait3A_20 = tpu.memref_slice %arg2[%dma_wait3A, %dma_wait3A_19] : memref<10240x128xf32, #tpu.memory_space<hbm>> -> memref<10240x128xf32, #tpu.memory_space<hbm>>
      tpu.wait_indirect_dma semaphore(%arg11 : memref<!tpu.dma_semaphore, #tpu.memory_space<semaphore_mem>>) src(%dma_wait3A_20 : memref<10240x128xf32, #tpu.memory_space<hbm>>) dst(%arg10 : memref<128x128xf32, #tpu.memory_space<vmem>>)
      "tpu.region"() ({
        %run_scoped3A = tpu.sem_alloc : memref<!tpu.dma_semaphore, #tpu.memory_space<semaphore_mem>>
        %dma_start3A_21 = arith.constant 0 : i32
        %dma_start3A_22 = arith.constant 0 : i32
        %dma_start3A_23 = tpu.memref_slice %arg7[%dma_start3A_21, %dma_start3A_22] : memref<10240x128xf32, #tpu.memory_space<vmem_shared>> -> memref<10240x128xf32, #tpu.memory_space<vmem_shared>>
        tpu.enqueue_indirect_dma source(%arg10 : memref<128x128xf32, #tpu.memory_space<vmem>>) target(%dma_start3A_23 : memref<10240x128xf32, #tpu.memory_space<vmem_shared>>) offsets(%arg9 : memref<128xi32, #tpu.memory_space<vmem>>) semaphore(%run_scoped3A : memref<!tpu.dma_semaphore, #tpu.memory_space<semaphore_mem>>) {add = true}
        %dma_wait3A_24 = arith.constant 0 : i32
        %dma_wait3A_25 = arith.constant 0 : i32
        %dma_wait3A_26 = tpu.memref_slice %arg7[%dma_wait3A_24, %dma_wait3A_25] : memref<10240x128xf32, #tpu.memory_space<vmem_shared>> -> memref<10240x128xf32, #tpu.memory_space<vmem_shared>>
        tpu.wait_indirect_dma semaphore(%run_scoped3A : memref<!tpu.dma_semaphore, #tpu.memory_space<semaphore_mem>>) src(%arg10 : memref<128x128xf32, #tpu.memory_space<vmem>>) dst(%dma_wait3A_26 : memref<10240x128xf32, #tpu.memory_space<vmem_shared>>)
        tpu.yield
      }) : () -> ()
    }
    %scan3A_14 = arith.constant 80 : i32
    %barrier3A_15 = arith.constant 0 : index
    tpu.barrier barrier_id(%barrier3A_15)
    "tpu.region"() ({
      %run_scoped3A = tpu.sem_alloc : memref<!tpu.dma_semaphore, #tpu.memory_space<semaphore_mem>>
      %dma_start3A = arith.constant 0 : i32
      %dma_start3A_16 = tpu.memref_slice %arg6[%arg0, %mul3A_0, %dma_start3A] : memref<2x10240x128xf32, #tpu.memory_space<hbm>> -> memref<1x640x128xf32, #tpu.memory_space<hbm>>
      %dma_start3A_17 = tpu.memref_squeeze %dma_start3A_16 : memref<1x640x128xf32, #tpu.memory_space<hbm>> -> memref<640x128xf32, #tpu.memory_space<hbm>>
      %dma_start3A_18 = arith.constant 0 : i32
      %dma_start3A_19 = tpu.memref_slice %arg7[%mul3A_0, %dma_start3A_18] : memref<10240x128xf32, #tpu.memory_space<vmem_shared>> -> memref<640x128xf32, #tpu.memory_space<vmem_shared>>
      tpu.enqueue_dma source(%dma_start3A_19 : memref<640x128xf32, #tpu.memory_space<vmem_shared>>) target(%dma_start3A_17 : memref<640x128xf32, #tpu.memory_space<hbm>>) target_semaphore(%run_scoped3A : memref<!tpu.dma_semaphore, #tpu.memory_space<semaphore_mem>>)
      %dma_wait3A = arith.constant 0 : i32
      %dma_wait3A_20 = tpu.memref_slice %arg6[%arg0, %mul3A_0, %dma_wait3A] : memref<2x10240x128xf32, #tpu.memory_space<hbm>> -> memref<1x640x128xf32, #tpu.memory_space<hbm>>
      %dma_wait3A_21 = tpu.memref_squeeze %dma_wait3A_20 : memref<1x640x128xf32, #tpu.memory_space<hbm>> -> memref<640x128xf32, #tpu.memory_space<hbm>>
      %dma_wait3A_22 = arith.constant 0 : i32
      %dma_wait3A_23 = tpu.memref_slice %arg7[%mul3A_0, %dma_wait3A_22] : memref<10240x128xf32, #tpu.memory_space<vmem_shared>> -> memref<640x128xf32, #tpu.memory_space<vmem_shared>>
      tpu.wait_dma2 semaphore(%run_scoped3A : memref<!tpu.dma_semaphore, #tpu.memory_space<semaphore_mem>>) src(%dma_wait3A_23 : memref<640x128xf32, #tpu.memory_space<vmem_shared>>) dst(%dma_wait3A_21 : memref<640x128xf32, #tpu.memory_space<hbm>>)
      tpu.yield
    }) : () -> ()
    return
  }
}

module attributes {stable_mosaic.version = 14 : i64} {
  func.func @_t23_body(%arg0: memref<2x10240x128xf32, #tpu.memory_space<vmem>>, %arg1: memref<10240x128xf32, #tpu.memory_space<vmem>>, %arg2: memref<10240x1xf32, #tpu.memory_space<vmem>>, %arg3: memref<1x128xf32, #tpu.memory_space<vmem>>, %arg4: memref<128x128xf32, #tpu.memory_space<vmem>>, %arg5: memref<10240x128xf32, #tpu.memory_space<vmem>>) attributes {dimension_semantics = [], scalar_prefetch = 0 : i64, scratch_operands = 0 : i64, tpu.core_type = #tpu.core_type<tc>} {
    %get3A = arith.constant 0 : index
    %get3A_0 = arith.constant 0 : index
    %get3A_1 = vector.load %arg2[%get3A, %get3A_0] : memref<10240x1xf32, #tpu.memory_space<vmem>>, vector<10240x1xf32>
    %get3A_2 = arith.constant 0 : index
    %get3A_3 = arith.constant 0 : index
    %get3A_4 = arith.constant 0 : index
    %get3A_5 = vector.load %arg0[%get3A_2, %get3A_3, %get3A_4] : memref<2x10240x128xf32, #tpu.memory_space<vmem>>, vector<1x10240x128xf32>
    %get3A_6 = vector.shape_cast %get3A_5 : vector<1x10240x128xf32> to vector<10240x128xf32>
    %get3A_7 = arith.constant 1 : index
    %get3A_8 = arith.constant 0 : index
    %get3A_9 = arith.constant 0 : index
    %get3A_10 = vector.load %arg0[%get3A_7, %get3A_8, %get3A_9] : memref<2x10240x128xf32, #tpu.memory_space<vmem>>, vector<1x10240x128xf32>
    %get3A_11 = vector.shape_cast %get3A_10 : vector<1x10240x128xf32> to vector<10240x128xf32>
    %add3A = arith.addf %get3A_6, %get3A_11 : vector<10240x128xf32>
    %get3A_12 = arith.constant 0 : index
    %get3A_13 = arith.constant 0 : index
    %get3A_14 = vector.load %arg1[%get3A_12, %get3A_13] : memref<10240x128xf32, #tpu.memory_space<vmem>>, vector<10240x128xf32>
    %add3A_15 = arith.addf %add3A, %get3A_14 : vector<10240x128xf32>
    %mul3A = vector.broadcast %get3A_1 : vector<10240x1xf32> to vector<10240x128xf32>
    %mul3A_16 = arith.mulf %mul3A, %add3A_15 : vector<10240x128xf32>
    %get3A_17 = arith.constant 0 : index
    %get3A_18 = arith.constant 0 : index
    %get3A_19 = vector.load %arg3[%get3A_17, %get3A_18] : memref<1x128xf32, #tpu.memory_space<vmem>>, vector<1x128xf32>
    %add3A_20 = vector.broadcast %get3A_19 : vector<1x128xf32> to vector<10240x128xf32>
    %add3A_21 = arith.addf %mul3A_16, %add3A_20 : vector<10240x128xf32>
    %max3A = arith.constant 0.000000e+00 : f32
    %max3A_22 = vector.broadcast %max3A : f32 to vector<10240x128xf32>
    %max3A_23 = arith.maximumf %add3A_21, %max3A_22 : vector<10240x128xf32>
    %get3A_24 = arith.constant 0 : index
    %get3A_25 = arith.constant 0 : index
    %get3A_26 = vector.load %arg4[%get3A_24, %get3A_25] : memref<128x128xf32, #tpu.memory_space<vmem>>, vector<128x128xf32>
    %dot_general3A = arith.constant dense<0.000000e+00> : vector<10240x128xf32>
    %dot_general3A_27 = tpu.matmul %max3A_23, %get3A_26, %dot_general3A {dimension_numbers = #tpu.dot_dimension_numbers<[1], [0], [0], [1], [0, 0, 1, 1], [], []>, transpose_lhs_hint = false} : vector<10240x128xf32>, vector<128x128xf32>, vector<10240x128xf32> -> vector<10240x128xf32>
    %mul3A_28 = vector.broadcast %get3A_1 : vector<10240x1xf32> to vector<10240x128xf32>
    %mul3A_29 = arith.mulf %mul3A_28, %dot_general3A_27 : vector<10240x128xf32>
    %swap3A = arith.constant 0 : index
    %swap3A_30 = arith.constant 0 : index
    %swap3A_31 = vector.load %arg5[%swap3A, %swap3A_30] : memref<10240x128xf32, #tpu.memory_space<vmem>>, vector<10240x128xf32>
    tpu.vector_store %arg5[%swap3A, %swap3A_30], %mul3A_29 {strides = array<i32>} : memref<10240x128xf32, #tpu.memory_space<vmem>>, vector<10240x128xf32>,
    return
  }
}

module attributes {stable_mosaic.version = 14 : i64} {
  func.func @_t1_body(%arg0: memref<2x10240x8xf32, #tpu.memory_space<vmem>>, %arg1: memref<10240x128xf32, #tpu.memory_space<vmem>>, %arg2: memref<128x128xf32, #tpu.memory_space<vmem>>, %arg3: memref<10240x128xf32, #tpu.memory_space<vmem>>, %arg4: memref<10240x1xf32, #tpu.memory_space<vmem>>) attributes {dimension_semantics = [], scalar_prefetch = 0 : i64, scratch_operands = 0 : i64, tpu.core_type = #tpu.core_type<tc>} {
    %get3A = arith.constant 0 : index
    %get3A_0 = arith.constant 0 : index
    %get3A_1 = arith.constant 0 : index
    %get3A_2 = vector.load %arg0[%get3A, %get3A_0, %get3A_1] : memref<2x10240x8xf32, #tpu.memory_space<vmem>>, vector<1x10240x1xf32>
    %get3A_3 = vector.shape_cast %get3A_2 : vector<1x10240x1xf32> to vector<10240x1xf32>
    %get3A_4 = arith.constant 1 : index
    %get3A_5 = arith.constant 0 : index
    %get3A_6 = arith.constant 0 : index
    %get3A_7 = vector.load %arg0[%get3A_4, %get3A_5, %get3A_6] : memref<2x10240x8xf32, #tpu.memory_space<vmem>>, vector<1x10240x1xf32>
    %get3A_8 = vector.shape_cast %get3A_7 : vector<1x10240x1xf32> to vector<10240x1xf32>
    %add3A = arith.addf %get3A_3, %get3A_8 : vector<10240x1xf32>
    %add3A_9 = arith.constant 1.000000e+00 : f32
    %add3A_10 = vector.broadcast %add3A_9 : f32 to vector<10240x1xf32>
    %add3A_11 = arith.addf %add3A, %add3A_10 : vector<10240x1xf32>
    %rsqrt3A = math.rsqrt %add3A_11 : vector<10240x1xf32>
    %swap3A = arith.constant 0 : index
    %swap3A_12 = arith.constant 0 : index
    %swap3A_13 = vector.load %arg4[%swap3A, %swap3A_12] : memref<10240x1xf32, #tpu.memory_space<vmem>>, vector<10240x1xf32>
    tpu.vector_store %arg4[%swap3A, %swap3A_12], %rsqrt3A {strides = array<i32>} : memref<10240x1xf32, #tpu.memory_space<vmem>>, vector<10240x1xf32>,
    %get3A_14 = arith.constant 0 : index
    %get3A_15 = arith.constant 0 : index
    %get3A_16 = vector.load %arg1[%get3A_14, %get3A_15] : memref<10240x128xf32, #tpu.memory_space<vmem>>, vector<10240x128xf32>
    %get3A_17 = arith.constant 0 : index
    %get3A_18 = arith.constant 0 : index
    %get3A_19 = vector.load %arg2[%get3A_17, %get3A_18] : memref<128x128xf32, #tpu.memory_space<vmem>>, vector<128x128xf32>
    %dot_general3A = arith.constant dense<0.000000e+00> : vector<10240x128xf32>
    %dot_general3A_20 = tpu.matmul %get3A_16, %get3A_19, %dot_general3A {dimension_numbers = #tpu.dot_dimension_numbers<[1], [0], [0], [1], [0, 0, 1, 1], [], []>, transpose_lhs_hint = false} : vector<10240x128xf32>, vector<128x128xf32>, vector<10240x128xf32> -> vector<10240x128xf32>
    %mul3A = vector.broadcast %rsqrt3A : vector<10240x1xf32> to vector<10240x128xf32>
    %mul3A_21 = arith.mulf %mul3A, %dot_general3A_20 : vector<10240x128xf32>
    %swap3A_22 = arith.constant 0 : index
    %swap3A_23 = arith.constant 0 : index
    %swap3A_24 = vector.load %arg3[%swap3A_22, %swap3A_23] : memref<10240x128xf32, #tpu.memory_space<vmem>>, vector<10240x128xf32>
    tpu.vector_store %arg3[%swap3A_22, %swap3A_23], %mul3A_21 {strides = array<i32>} : memref<10240x128xf32, #tpu.memory_space<vmem>>, vector<10240x128xf32>,
    return
  }
}

module attributes {stable_mosaic.version = 14 : i64} {
  func.func @_t4_body(%arg0: memref<2x10240x128xf32, #tpu.memory_space<vmem>>, %arg1: memref<10240x128xf32, #tpu.memory_space<vmem>>, %arg2: memref<10240x1xf32, #tpu.memory_space<vmem>>, %arg3: memref<1x128xf32, #tpu.memory_space<vmem>>, %arg4: memref<10240x1xi32, #tpu.memory_space<vmem>>, %arg5: memref<256x10xf32, #tpu.memory_space<vmem>>, %arg6: memref<1x10xf32, #tpu.memory_space<vmem>>, %arg7: memref<64x10xf32, #tpu.memory_space<vmem>>, %arg8: memref<64x128xf32, #tpu.memory_space<vmem>>) attributes {dimension_semantics = [], scalar_prefetch = 0 : i64, scratch_operands = 1 : i64, tpu.core_type = #tpu.core_type<tc>} {
    %get3A = arith.constant 0 : index
    %get3A_0 = arith.constant 0 : index
    %get3A_1 = vector.load %arg2[%get3A, %get3A_0] : memref<10240x1xf32, #tpu.memory_space<vmem>>, vector<10240x1xf32>
    %get3A_2 = arith.constant 0 : index
    %get3A_3 = arith.constant 0 : index
    %get3A_4 = arith.constant 0 : index
    %get3A_5 = vector.load %arg0[%get3A_2, %get3A_3, %get3A_4] : memref<2x10240x128xf32, #tpu.memory_space<vmem>>, vector<1x10240x128xf32>
    %get3A_6 = vector.shape_cast %get3A_5 : vector<1x10240x128xf32> to vector<10240x128xf32>
    %get3A_7 = arith.constant 1 : index
    %get3A_8 = arith.constant 0 : index
    %get3A_9 = arith.constant 0 : index
    %get3A_10 = vector.load %arg0[%get3A_7, %get3A_8, %get3A_9] : memref<2x10240x128xf32, #tpu.memory_space<vmem>>, vector<1x10240x128xf32>
    %get3A_11 = vector.shape_cast %get3A_10 : vector<1x10240x128xf32> to vector<10240x128xf32>
    %add3A = arith.addf %get3A_6, %get3A_11 : vector<10240x128xf32>
    %get3A_12 = arith.constant 0 : index
    %get3A_13 = arith.constant 0 : index
    %get3A_14 = vector.load %arg1[%get3A_12, %get3A_13] : memref<10240x128xf32, #tpu.memory_space<vmem>>, vector<10240x128xf32>
    %add3A_15 = arith.addf %add3A, %get3A_14 : vector<10240x128xf32>
    %mul3A = vector.broadcast %get3A_1 : vector<10240x1xf32> to vector<10240x128xf32>
    %mul3A_16 = arith.mulf %mul3A, %add3A_15 : vector<10240x128xf32>
    %get3A_17 = arith.constant 0 : index
    %get3A_18 = arith.constant 0 : index
    %get3A_19 = vector.load %arg3[%get3A_17, %get3A_18] : memref<1x128xf32, #tpu.memory_space<vmem>>, vector<1x128xf32>
    %add3A_20 = vector.broadcast %get3A_19 : vector<1x128xf32> to vector<10240x128xf32>
    %add3A_21 = arith.addf %mul3A_16, %add3A_20 : vector<10240x128xf32>
    %max3A = arith.constant 0.000000e+00 : f32
    %max3A_22 = vector.broadcast %max3A : f32 to vector<10240x128xf32>
    %max3A_23 = arith.maximumf %add3A_21, %max3A_22 : vector<10240x128xf32>
    %get3A_24 = arith.constant 0 : index
    %get3A_25 = arith.constant 0 : index
    %get3A_26 = vector.load %arg4[%get3A_24, %get3A_25] : memref<10240x1xi32, #tpu.memory_space<vmem>>, vector<10240x1xi32>
    %reshape3A = vector.shape_cast %get3A_26 : vector<10240x1xi32> to vector<1x10240xi32>
    %iota3A = tpu.iota {dimensions = array<i32: 0>} : vector<64x10240xi32>
    %eq3A = vector.broadcast %reshape3A : vector<1x10240xi32> to vector<64x10240xi32>
    %eq3A_27 = arith.cmpi eq, %iota3A, %eq3A : vector<64x10240xi32>
    %convert_element_type3A = arith.extui %eq3A_27 : vector<64x10240xi1> to vector<64x10240xi32>
    %convert_element_type3A_28 = arith.sitofp %convert_element_type3A : vector<64x10240xi32> to vector<64x10240xf32>
    %dot_general3A = arith.constant dense<0.000000e+00> : vector<64x128xf32>
    %dot_general3A_29 = tpu.matmul %convert_element_type3A_28, %max3A_23, %dot_general3A {dimension_numbers = #tpu.dot_dimension_numbers<[1], [0], [0], [1], [0, 0, 1, 1], [], []>, transpose_lhs_hint = false} : vector<64x10240xf32>, vector<10240x128xf32>, vector<64x128xf32> -> vector<64x128xf32>
    %reduce_sum3A = arith.constant dense<0.000000e+00> : vector<64xf32>
    %reduce_sum3A_30 = vector.multi_reduction <add>, %convert_element_type3A_28, %reduce_sum3A [1] : vector<64x10240xf32> to vector<64xf32>
    %broadcast_in_dim3A = vector.shape_cast %reduce_sum3A_30 : vector<64xf32> to vector<64x1xf32>
    %max3A_31 = arith.constant 1.000000e+00 : f32
    %max3A_32 = vector.broadcast %max3A_31 : f32 to vector<64x1xf32>
    %max3A_33 = arith.maximumf %broadcast_in_dim3A, %max3A_32 : vector<64x1xf32>
    %div3A = vector.broadcast %max3A_33 : vector<64x1xf32> to vector<64x128xf32>
    %div3A_34 = arith.divf %dot_general3A_29, %div3A : vector<64x128xf32>
    %scan3A = arith.constant 0xFF800000 : f32
    %scan3A_35 = arith.constant 0 : i32
    %scan3A_36 = arith.constant 64 : i32
    %scan3A_37 = arith.addi %scan3A_35, %scan3A_36 : i32
    %scan3A_38 = arith.constant 1 : i32
    scf.for %scan3A_60 = %scan3A_35 to %scan3A_37 step %scan3A_38  : i32 {
      %get3A_61 = arith.constant 0 : index
      %get3A_62 = arith.constant 0 : index
      %get3A_63 = vector.load %arg4[%get3A_61, %get3A_62] : memref<10240x1xi32, #tpu.memory_space<vmem>>, vector<10240x1xi32>
      %eq3A_64 = vector.broadcast %scan3A_60 : i32 to vector<10240x1xi32>
      %eq3A_65 = arith.cmpi eq, %get3A_63, %eq3A_64 : vector<10240x1xi32>
      %broadcast_in_dim3A_66 = vector.shape_cast %eq3A_65 : vector<10240x1xi1> to vector<10240x1xi1>
      %broadcast_in_dim3A_67 = vector.broadcast %broadcast_in_dim3A_66 : vector<10240x1xi1> to vector<10240x128xi1>
      %broadcast_in_dim3A_68 = vector.broadcast %scan3A : f32 to vector<10240x128xf32>
      %select_n3A_69 = arith.select %broadcast_in_dim3A_67, %max3A_23, %broadcast_in_dim3A_68 : vector<10240x128xi1>, vector<10240x128xf32>
      %reduce_max3A = arith.constant dense<0xFF800000> : vector<128xf32>
      %reduce_max3A_70 = vector.multi_reduction <maximumf>, %select_n3A_69, %reduce_max3A [0] : vector<10240x128xf32> to vector<128xf32>
      %broadcast_in_dim3A_71 = vector.shape_cast %reduce_max3A_70 : vector<128xf32> to vector<1x128xf32>
      %swap3A_72 = arith.index_cast %scan3A_60 : i32 to index
      %swap3A_73 = arith.constant 0 : index
      %swap3A_74 = vector.load %arg8[%swap3A_72, %swap3A_73] : memref<64x128xf32, #tpu.memory_space<vmem>>, vector<1x128xf32>
      tpu.vector_store %arg8[%swap3A_72, %swap3A_73], %broadcast_in_dim3A_71 {strides = array<i32>} : memref<64x128xf32, #tpu.memory_space<vmem>>, vector<1x128xf32>,
    }
    %scan3A_39 = arith.constant 64 : i32
    %gt3A = arith.constant 0.000000e+00 : f32
    %gt3A_40 = vector.broadcast %gt3A : f32 to vector<64x1xf32>
    %gt3A_41 = arith.cmpf ogt, %broadcast_in_dim3A, %gt3A_40 : vector<64x1xf32>
    %get3A_42 = arith.constant 0 : index
    %get3A_43 = arith.constant 0 : index
    %get3A_44 = vector.load %arg8[%get3A_42, %get3A_43] : memref<64x128xf32, #tpu.memory_space<vmem>>, vector<64x128xf32>
    %jit3A = arith.constant 0.000000e+00 : f32
    %broadcast_in_dim3A_45 = vector.shape_cast %gt3A_41 : vector<64x1xi1> to vector<64x1xi1>
    %broadcast_in_dim3A_46 = vector.broadcast %broadcast_in_dim3A_45 : vector<64x1xi1> to vector<64x128xi1>
    %broadcast_in_dim3A_47 = vector.broadcast %jit3A : f32 to vector<64x128xf32>
    %select_n3A = arith.select %broadcast_in_dim3A_46, %get3A_44, %broadcast_in_dim3A_47 : vector<64x128xi1>, vector<64x128xf32>
    %concatenate3A = tpu.concatenate %div3A_34, %select_n3A in 1 : vector<64x128xf32>, vector<64x128xf32> -> vector<64x256xf32>
    %get3A_48 = arith.constant 0 : index
    %get3A_49 = arith.constant 0 : index
    %get3A_50 = vector.load %arg5[%get3A_48, %get3A_49] : memref<256x10xf32, #tpu.memory_space<vmem>>, vector<256x10xf32>
    %dot_general3A_51 = arith.constant dense<0.000000e+00> : vector<64x10xf32>
    %dot_general3A_52 = tpu.matmul %concatenate3A, %get3A_50, %dot_general3A_51 {dimension_numbers = #tpu.dot_dimension_numbers<[1], [0], [0], [1], [0, 0, 1, 1], [], []>, transpose_lhs_hint = false} : vector<64x256xf32>, vector<256x10xf32>, vector<64x10xf32> -> vector<64x10xf32>
    %get3A_53 = arith.constant 0 : index
    %get3A_54 = arith.constant 0 : index
    %get3A_55 = vector.load %arg6[%get3A_53, %get3A_54] : memref<1x10xf32, #tpu.memory_space<vmem>>, vector<1x10xf32>
    %add3A_56 = vector.broadcast %get3A_55 : vector<1x10xf32> to vector<64x10xf32>
    %add3A_57 = arith.addf %dot_general3A_52, %add3A_56 : vector<64x10xf32>
    %swap3A = arith.constant 0 : index
    %swap3A_58 = arith.constant 0 : index
    %swap3A_59 = vector.load %arg7[%swap3A, %swap3A_58] : memref<64x10xf32, #tpu.memory_space<vmem>>, vector<64x10xf32>
    tpu.vector_store %arg7[%swap3A, %swap3A_58], %add3A_57 {strides = array<i32>} : memref<64x10xf32, #tpu.memory_space<vmem>>, vector<64x10xf32>,
    return
  }
}

</mosaic_0001>

<sc_bundles>
// kernel: kernel.10.cloned.1.call-start
scs
__scs_entry_jumppad:
0x0: {  	(pc) =	sbr.rel $0x88, $3  }
0x1: {  	(tag) =	ssettag $0x0;
	lr =	simm.s32 $0x1  }
0x2: {  	[smem:$0x3F96] =	sst lr;
	_ =	strace $0xD0000000  }
0x3: {  	_ = 	snop  }
0x4: {  	_ = 	snop  }
0x5: {  	_ = 	snop  }
0x6: {  	_ = 	snop  }
0x7: {  	_ = 	snop  }
__scs_overlays_trampoline_lowered:
0x8: {  	[smem:$0x3FA5] =	sst s0  }
0x9: {  	[smem:$0x3FA6] =	sst s1  }
0xa: {  	[smem:$0x3FA7] =	sst s2  }
0xb: {  	[smem:$0x3FA8] =	sst s3  }
0xc: {  	[smem:$0x3FA9] =	sst s4  }
0xd: {  	[smem:$0x3FAA] =	sst s5  }
0xe: {  	[smem:$0x3FAB] =	sst s6  }
0xf: {  	[smem:$0x3FAC] =	sst s7  }
0x10: {  	[smem:$0x3FAD] =	sst s8  }
0x11: {  	[smem:$0x3FAE] =	sst s9;
	s0 =	simm.s32 @!p0 $0x0  }
0x12: {  	s1 =	sld [smem:$0x3F94];
	s0 =	simm.s32 @p0 $0x1  }
0x13: {  	[smem:$0x3FAF] =	sst s0;
	s0 =	simm.s32 @!p1 $0x0  }
0x14: {  	s2 =	sld [smem:$0x3F93];
	s0 =	simm.s32 @p1 $0x1  }
0x15: {  	[smem:$0x3FB0] =	sst s0;
	s0 =	simm.s32 @!p2 $0x0  }
0x16: {  	s3 =	sld [smem:$0x3FDB];
	s0 =	simm.s32 @p2 $0x1  }
0x17: {  	s4 =	simm.s32 $0x1BF5;
	[smem:$0x3FB2] =	sst s0  }
0x18: {  	s0 =	sld [smem:$0x3F95];
	_ =	swait.ge [sflag:s4], $0x0  }
0x19: {  	s7 =	sld [smem:$0x3F96]  }
0x1a: {  	s8 =	sadd.s32 $0xFFFFE003, lr  }
0x1b: {  	s9 =	sadd.s32 $0xFFFFFEF7, lr;
	s5 =	simm.s32 $0xFFFFFFFF;
	p2 =	slt.u32 s8, $0xFFFFF086  }
0x1c: {  	p1 =	slt.u32 s9, $0xF7A;
	s5 =	simm.s32 @!p2 $0x0  }
0x1d: {  	s5 =	simm.s32 @p1 $0x1;
	p0 =	seq.s32 s7, s2  }
0x1e: {  	s7 =	smul.u32 @!p0 $0xF7A, s2;
	p2 =	seq.s32 @!p0 s5, $0x0  }
0x1f: {  	s9 =	smul.u32 $0xF7A, s1;
	s8 =	simm.s32 @!p0 $0x1BF5;
	p2 =	por !p2, p0  }
0x20: {  	[sflag:s8] =	ssyncset.s32 @!p0 $0xFFFFF086;
	s6 =	sadd.s32 @!p0 s3, s7;
	s7 =	simm.s32 @!p0 $0x108  }
0x21: {  	s3 =	sadd.s32 s3, s9;
	s6 =	sadd.s32 @!p0 $0x88, s6;
	s7 =	simm.s32 @p2 $0x1082  }
0x22: {  	[simem:s7], [sflag:s8] =	dma.local @!p0 [hbm:s6], $0xF7A  }
0x23: {  	s9 =	sor.u32 $0xD0000000, s2;
	s6 =	simm.s32 $0x108;
	_ =	swait.ge @!p0 [sflag:s8], $0x0  }
0x24: {  	s3 =	sadd.s32 $0x88, s3;
	s6 =	simm.s32 @!p1 $0x1082;
	[sflag:s4] =	ssyncset.s32 $0xFFFFF086  }
0x25: {  	[simem:s6], [sflag:s4] =	dma.local [hbm:s3], $0xF7A  }
0x26: {  	[smem:$0x3F96] =	sst s1;
	(tag) =	ssettag s2;
	_ =	strace s9  }
0x27: {  	s1 =	sld [smem:$0x3FA6]  }
0x28: {  	s2 =	sld [smem:$0x3FA7]  }
0x29: {  	s4 =	sld [smem:$0x3FA9]  }
0x2a: {  	p0 =	seq.s32 s5, $0x0;
	s5 =	sld [smem:$0x3FAA]  }
0x2b: {  	s6 =	sld [smem:$0x3FAB]  }
0x2c: {  	s7 =	sld [smem:$0x3FAC]  }
0x2d: {  	s3 =	simm.s32 $0x108;
	s8 =	sld [smem:$0x3FAD]  }
0x2e: {  	s3 =	simm.s32 @!p0 $0x1082;
	s9 =	sld [smem:$0x3FAE]  }
0x2f: {  	lr =	sadd.s32 s0, s3;
	s0 =	sld [smem:$0x3FA5]  }
0x30: {  	s3 =	sld [smem:$0x3FA8]  }
0x31: {  	[smem:$0x3FB1] =	sst s10  }
0x32: {  	s10 =	sld [smem:$0x3FAF];
	_ =	sdelay $0x3  }
0x33: {  	p0 =	seq.s32 s10, $0x1;
	s10 =	sld [smem:$0x3FB1];
	_ =	sdelay $0x3  }
0x34: {  	[smem:$0x3FB1] =	sst s10  }
0x35: {  	s10 =	sld [smem:$0x3FB0];
	_ =	sdelay $0x3  }
0x36: {  	p1 =	seq.s32 s10, $0x1;
	s10 =	sld [smem:$0x3FB1];
	_ =	sdelay $0x3  }
0x37: {  	[smem:$0x3FB1] =	sst s10  }
0x38: {  	s10 =	sld [smem:$0x3FB2]  }
0x39: {  	_ = 	snop;
	(pc) =	sbr.ind lr, $3  }
0x3a: {  	_ = 	snop  }
0x3b: {  	_ = 	snop  }
0x3c: {  	p2 =	seq.s32 s10, $0x1;
	s10 =	sld [smem:$0x3FB1]  }
0x3d: {  	_ =	shalt  }
0x3e: {  	_ =	shalt  }
0x3f: {  	_ =	shalt  }
0x40: {  	_ =	shalt  }
0x41: {  	_ =	shalt  }
0x42: {  	_ =	shalt  }
0x43: {  	_ =	shalt  }
0x44: {  	_ =	shalt  }
0x45: {  	_ =	shalt  }
0x46: {  	_ =	shalt  }
0x47: {  	_ =	shalt  }
0x48: {  	_ =	shalt  }
0x49: {  	_ =	shalt  }
0x4a: {  	_ =	shalt  }
0x4b: {  	_ =	shalt  }
0x4c: {  	_ =	shalt  }
0x4d: {  	_ =	shalt  }
0x4e: {  	_ =	shalt  }
0x4f: {  	_ =	shalt  }
0x50: {  	_ =	shalt  }
0x51: {  	_ =	shalt  }
0x52: {  	_ =	shalt  }
0x53: {  	_ =	shalt  }
0x54: {  	_ =	shalt  }
0x55: {  	_ =	shalt  }
0x56: {  	_ =	shalt  }
0x57: {  	_ =	shalt  }
0x58: {  	_ =	shalt  }
0x59: {  	_ =	shalt  }
0x5a: {  	_ =	shalt  }
0x5b: {  	_ =	shalt  }
0x5c: {  	_ =	shalt  }
0x5d: {  	_ =	shalt  }
0x5e: {  	_ =	shalt  }
0x5f: {  	_ =	shalt  }
0x60: {  	_ =	shalt  }
0x61: {  	_ =	shalt  }
0x62: {  	_ =	shalt  }
0x63: {  	_ =	shalt  }
0x64: {  	_ =	shalt  }
0x65: {  	_ =	shalt  }
0x66: {  	_ =	shalt  }
0x67: {  	_ =	shalt  }
0x68: {  	_ =	shalt  }
0x69: {  	_ =	shalt  }
0x6a: {  	_ =	shalt  }
0x6b: {  	_ =	shalt  }
0x6c: {  	_ =	shalt  }
0x6d: {  	_ =	shalt  }
0x6e: {  	_ =	shalt  }
0x6f: {  	_ =	shalt  }
0x70: {  	_ =	shalt  }
0x71: {  	_ =	shalt  }
0x72: {  	_ =	shalt  }
0x73: {  	_ =	shalt  }
0x74: {  	_ =	shalt  }
0x75: {  	_ =	shalt  }
0x76: {  	_ =	shalt  }
0x77: {  	_ =	shalt  }
0x78: {  	_ =	shalt  }
0x79: {  	_ =	shalt  }
0x7a: {  	_ =	shalt  }
0x7b: {  	_ =	shalt  }
0x7c: {  	_ =	shalt  }
0x7d: {  	_ =	shalt  }
0x7e: {  	_ =	shalt  }
0x7f: {  	_ =	shalt  }
0x80: {  	_ =	shalt  }
0x81: {  	_ =	shalt  }
0x82: {  	_ =	shalt  }
0x83: {  	_ =	shalt  }
0x84: {  	_ =	shalt  }
0x85: {  	_ =	shalt  }
0x86: {  	_ =	shalt  }
0x87: {  	_ =	shalt  }
.Lfunc_end0:
.L_simem_size_0:
called_computation_lowered:
.L_overlay_start_0:
0x88: {  	s2 =	sld [smem:$0x3FD9]  }
0x89: {  	s3 =	sld [smem:$0x3FFE];
	_ =	sdelay $0x1  }
0x8a: {  	s1 =	srdreg.scid  }
0x8b: {  	s0 =	sand.u32 $0x1, s1  }
0x8c: {  	s16 =	sshll.u32 s0, $0xA;
	s2 =	sadd.s32 s3, s2  }
0x8d: {  	s2 =	sadd.s32 s2, s16  }
0x8e: {  	[smem:$0x3FBD] =	sst s2  }
0x8f: {  	_ = 	snop  }
0x90: {  	(tm) =	ssettm $0x1  }
0x91: {  	s17 =	sld [smem:$0x3FFB];
	_ =	sdelay $0x3  }
0x92: {  	_ =	strace s17  }
0x93: {  	s2 =	sld [smem:$0x3FFC];
	_ =	sdelay $0x3  }
0x94: {  	_ =	strace s2  }
0x95: {  	s2 =	sld [smem:$0x3FFD];
	_ =	sdelay $0x3  }
0x96: {  	_ =	strace s2  }
0x97: {  	_ =	strace $0x8FFFFFFF  }
0x98: {  	s18 =	sld [smem:$0x3FDB];
	_ =	sdelay $0x1  }
0x99: {  	s19 =	simm.s32 $_scs_section_size  }
0x9a: {  	s4 =	simm.s32 $_size__tile_overlayer_lowered;
	s5 =	simm.s32 $_tile_overlayer_lowered  }
0x9b: {  	s22 =	simm.s32 $0x1BFF;
	s21 =	sshll.u32 s5, $0x1;
	s2 =	sadd.s32 s19, s18  }
0x9c: {  	s6 =	simm.s32 $0x0;
	s20 =	sshll.u32 s4, $0x1;
	s4 =	sadd.s32 s21, s2  }
0x9d: {  	[timem:s6], [sflag:s22] =	dma.local [hbm:s4], s20  }
0x9e: {  	_ =	swait.ge [sflag:s22], s20  }
0x9f: {  	s3 =	ssub.s32 $0x0, s20;
	[sflag:s22] =	ssyncset.done $0x0  }
0xa0: {  	[sflag:s22] =	ssyncadd.s32 s3;
	_ =	sdelay $0x1  }
0xa1: {  	s23 =	simm.s32 $0x1B8B  }
0xa2: {  	_ =	swait.ge [sflag:s23], $0x1  }
0xa3: {  	[sflag:s23] =	ssyncset.done $0x0  }
0xa4: {  	s25 =	simm.s32 $0x1B8E;
	s24 =	sld [smem:$0x3FFE];
	[sflag:s23] =	ssyncadd.s32 $0xFFFFFFFF  }
0xa5: {  	s26 =	simm.s32 $execute0_lowered;
	[smem:$0x3FD2] =	sst s25  }
0xa6: {  	s4 =	sshll.u32 s26, $0x1;
	_ =	strace $0x80000046;
	[dreg:$0x1] =	wrdreg $0xFFFFFFFF  }
0xa7: {  	s28 =	simm.s32 $_size_execute0_lowered;
	s2 =	sadd.s32 s2, s4;
	[dreg:$0x0] =	wrdreg $0x0  }
0xa8: {  	s4 =	sshll.u32 s28, $0x1;
	[dreg:$0x2] =	wrdreg s2  }
0xa9: {  	[dreg:$0x3] =	wrdreg s4  }
0xaa: {  	[dreg:$0x4] =	wrdreg $0xC0  }
0xab: {  	_ =	task [dreg:s6], $0x5FFFF  }
0xac: {  	[dreg:$0x1] =	wrdreg $0xFFFFFFFF  }
0xad: {  	[dreg:$0x0] =	wrdreg $0x60  }
0xae: {  	[dreg:$0x2] =	wrdreg s24  }
0xaf: {  	[dreg:$0x3] =	wrdreg $0x0  }
0xb0: {  	[dreg:$0x4] =	wrdreg $0x9  }
0xb1: {  	_ =	task.clear_ibuf [dreg:s6], $0x5FFFF;
	_ =	strace $0x90000046  }
0xb2: {  	s29 =	simm.s32 $0x9;
	_ =	strace $0x80000048  }
0xb3: {  	_ =	swait.ge [sflag:s29], $0x1  }
0xb4: {  	[sflag:s29] =	ssyncadd.s32 $0xFFFFFFFF  }
0xb5: {  	_ =	strace $0x90000048  }
0xb6: {  	_ =	sfence  }
0xb7: {  	s30 =	sld [smem:$0x0];
	_ =	sdelay $0x2  }
0xb8: {  	s31 =	sshll.u32 s1, $0xD;
	s1 =	sshrl.u32 s1, $0x2  }
0xb9: {  	s3 =	sand.u32 $0x4000, s31;
	s1 =	sadd.s32 s1, s30  }
0xba: {  	s0 =	sor.u32 s3, s0;
	s1 =	sshll.u32 s1, $0x11  }
0xbb: {  	s0 =	sor.u32 s1, s0  }
0xbc: {  	s0 =	sadd.s32 $0x8F2B, s0  }
0xbd: {  	[sflag:s0] =	ssyncadd.remote.s32 $0x1  }
0xbe: {  	_ =	sfence.sel $0xFFFF  }
0xbf: {  	[dreg:$0x0] =	wrdreg $0xFFFFFFFF;
	(pc) =	sbr.abs _section_cstart, $3  }
0xc0: {  	[dreg:$0x1] =	wrdreg $0xFFFFFFFF  }
0xc1: {  	_ =	task.clear_ibuf [dreg:s6], $0x2FFFF;
	_ =	strace $0x9FFFFFFF  }
0xc2: {  	(tm) =	ssettm $0x7FFFFFFF  }
0xc3: {  	_ =	shalt  }
tec
execute0_lowered:
.L_overlay_start_1:
0x0: {  	(tag) =	ssettag $0x1  }
0x1: {  	s7 =	rddreg [dreg:$0x0]  }
0x2: {  	s1 =	rddreg [dreg:$0x1];
	s2 =	srdreg.scid  }
0x3: {  	s0 =	rddreg [dreg:$0x2];
	s3 =	simm.s32 $0x0;
	s8 =	sand.u32 $0x1, s2  }
0x4: {  	s14 =	simm.s32 $0x1400;
	s2 =	stileid.u32;
	s9 =	smul.u32 $0x140000, s8  }
0x5: {  	s15 =	simm.s32 $0x80;
	s16 =	simm.s32 $0x0;
	s10 =	smul.u32 $0x14000, s2  }
0x6: {  	[smem:$0x7FF] =	sst s3;
	s4 =	sadd.s32 $0xD800, s7;
	s11 =	smul.u32 $0x50000, s2  }
0x7: {  	s5 =	sadd.s32 $0x1A000, s7;
	s30 =	ssub.s32 $0x2, s8;
	s8 =	smul.u32 $0x28000, s8  }
0x8: {  	s6 =	sadd.s32 $0x17800, s7;
	_ =	strace $0x80000047;
	s13 =	smul.u32 $0x2800, s2  }
0x9: {  	s12 =	sshll.u32 s2, $0x6;
	s31 =	sshrl.u32 s30, $0x1;
	s9 =	sadd.s32 s10, s9  }
0xa: {  	s11 =	sshrl.u32 s11, $0x2;
	s10 =	ssub.s32 s30, s31;
	s8 =	sadd.s32 s13, s8  }
0xb: {  	s13 =	simm.s32 $0x1480;
	s9 =	sshrl.u32 s9, $0x3;
	s11 =	sadd.s32 s11, s1  }
0xc: {  	s10 =	smax.u32 s10, $0x1;
	s9 =	sadd.s32 s9, s7;
	s7 =	sor.u32 $0x1C01, s12  }
0xd: {  	s11 =	sshrl.u32 s11, $0x3;
	s12 =	simm.s32 $0x1;
	s9 =	sadd.s32 $0x1A800, s9  }
.LBB2_1:
0xe: {  	[spmem:s11], [sflag:s7] =	dma.local [hbm:s6], $0x2800  }
0xf: {  	_ =	swait.ge [sflag:s12], $0x2800  }
0x10: {  	[sflag:s12] =	ssyncset.done $0x0  }
0x11: {  	s17 =	sand.u32 $0x3C00, s3;
	[sflag:s12] =	ssyncadd.s32 $0xFFFFD800  }
0x12: {  	[tilespmem:s13], [sflag:$0x1] =	stream.linear.gather [hbm4b:s5+s3], $0x4000, $0x38;
	[tilespmem:$0x5480] =	vst v63  }
0x13: {  	s18 =	sand.u32 $0x380, s3;
	s17 =	sadd.s32 s17, s8;
	_ =	swait.ge [sflag:s12], $0x4000  }
0x14: {  	s17 =	sor.u32 s18, s17;
	[sflag:s12] =	ssyncset.done $0x0  }
0x15: {  	s17 =	sshrl.u32 s17, $0x3;
	[sflag:s12] =	ssyncadd.s32 $0xFFFFC000  }
0x16: {  	s17 =	sadd.s32 s4, s17;
	[bflag:$0x0] =	sbarrier.arrive $0xFFFF  }
0x17: {  	[tilespmem:s14], [sflag:$0x1] =	stream.linear.gather [hbm4b:s17+s3], $0x80, $0x38;
	[tilespmem:$0x5480] =	vst v63  }
0x18: {  	_ =	swait.ge [sflag:s12], $0x80  }
0x19: {  	s30 =	simm.s32 $0x80;
	[sflag:s12] =	ssyncset.done $0x0  }
0x1a: {  	s31 =	sand.u32 $0x3C00, s30;
	[sflag:s12] =	ssyncadd.s32 $0xFFFFFF80  }
0x1b: {  	[spmem:s1] =	stream.indirect.scatter.add.f32 [tilespmem:s13], [sflag:$0x1], $0x8, s14, s15, $0xb8;
	[tilespmem:$0x5480] =	vst v63  }
0x1c: {  	s19 =	sand.u32 $0x380, s30;
	s18 =	sadd.s32 s31, s8;
	_ =	swait.ge [sflag:s12], $0x400  }
0x1d: {  	s18 =	sor.u32 s19, s18;
	s17 =	simm.s32 $0x100;
	[sflag:s12] =	ssyncset.done $0x0  }
.LBB2_2:
0x1e: {  	s18 =	sshrl.u32 s18, $0x3  }
0x1f: {  	[sflag:s12] =	ssyncadd.s32 $0xFFFFFC00;
	s19 =	smov.u32 s17;
	s20 =	sadd.s32 $0x80, s17  }
0x20: {  	p0 =	sne.s32 s17, $0x2780;
	s17 =	sadd.s32 s4, s18  }
0x21: {  	[tilespmem:s14], [sflag:$0x1] =	stream.linear.gather [hbm4b:s17+s3], $0x80, $0x38;
	[tilespmem:$0x5480] =	vst v63  }
0x22: {  	_ =	swait.ge [sflag:s12], $0x80  }
.Ltmp0:
0x23: {  	[sflag:s12] =	ssyncset.done $0x0;
	(pc) =	sbr.rel @p0 .LBB2_2-.Ltmp0, $4  }
0x24: {  	s17 =	sand.u32 $0x3C00, s19;
	[sflag:s12] =	ssyncadd.s32 $0xFFFFFF80  }
0x25: {  	[spmem:s1] =	stream.indirect.scatter.add.f32 [tilespmem:s13], [sflag:$0x1], $0x8, s14, s15, $0xb8;
	[tilespmem:$0x5480] =	vst v63  }
0x26: {  	s18 =	sand.u32 $0x380, s19;
	s17 =	sadd.s32 s17, s8;
	_ =	swait.ge [sflag:s12], $0x400  }
0x27: {  	s18 =	sor.u32 s18, s17;
	s17 =	smov.u32 s20;
	[sflag:s12] =	ssyncset.done $0x0  }
0x28: {  	s17 =	sshrl.u32 s18, $0x3  }
0x29: {  	[sflag:s12] =	ssyncadd.s32 $0xFFFFFC00;
	s17 =	sadd.s32 s4, s17  }
0x2a: {  	[tilespmem:s14], [sflag:$0x1] =	stream.linear.gather [hbm4b:s17+s3], $0x80, $0x38;
	[tilespmem:$0x5480] =	vst v63  }
0x2b: {  	_ =	swait.ge [sflag:s12], $0x80  }
0x2c: {  	[sflag:s12] =	ssyncset.done $0x0  }
0x2d: {  	[sflag:s12] =	ssyncadd.s32 $0xFFFFFF80  }
0x2e: {  	[spmem:s1] =	stream.indirect.scatter.add.f32 [tilespmem:s13], [sflag:$0x1], $0x8, s14, s15, $0xb8;
	[tilespmem:$0x5480] =	vst v63  }
0x2f: {  	_ =	swait.ge [sflag:s12], $0x400  }
0x30: {  	s16 =	sadd.s32 $0x1, s16;
	[sflag:s12] =	ssyncset.done $0x0  }
0x31: {  	p0 =	sne.s32 s16, s10;
	[sflag:s12] =	ssyncadd.s32 $0xFFFFFC00  }
.Ltmp1:
0x32: {  	[bflag:$0x0] =	sbarrier.arrive $0xFFFF;
	(pc) =	sbr.rel @p0 .LBB2_1-.Ltmp1, $4  }
0x33: {  	[hbm:s9], [sflag:s7] =	dma.local [spmem:s11], $0x2800  }
0x34: {  	_ =	swait.ge [sflag:s12], $0x2800  }
0x35: {  	[sflag:s12] =	ssyncset.done $0x0  }
0x36: {  	[sflag:s12] =	ssyncadd.s32 $0xFFFFD800  }
0x37: {  	_ =	sfence.sel $0x180000  }
0x38: {  	[bflag:$0x0] =	sbarrier.arrive $0xFFFF  }
0x39: {  	p0 =	sne.s32 s2, $0x0;
	_ =	strace $0x90000047  }
0x3a: {  	s0 =	sadd.s32 @!p0 $0x100000, s0;
	[bflag:$0x2] =	sbarrier.arrive $0xFFFF  }
0x3b: {  	[sflag:s0] =	ssyncadd.tile.s32 @!p0 $0x1;
	_ =	shalt  }
.Lfunc_end2:
_tile_overlayer_lowered:
.L_overlay_start_2:
0x3c: {  	(tag) =	ssettag $0x2  }
0x3d: {  	s0 =	rddreg [dreg:$0x0];
	s2 =	stileid.u32  }
0x3e: {  	s1 =	rddreg [dreg:$0x1];
	p0 =	sne.s32 s2, $0x0  }
0x3f: {  	s3 =	rddreg [dreg:$0x2];
	[bflag:$0x3] =	sbarrier.arrive $0xFFFF;
	s2 =	simm.s32 @!p0 $0x1C01  }
0x40: {  	[timem:s3], [sflag:s2] =	dma.local @!p0 [hbm:s0], s1  }
0x41: {  	s0 =	simm.s32 @!p0 $0x1  }
0x42: {  	_ =	swait.ge @!p0 [sflag:s0], s1  }
0x43: {  	s1 =	ssub.s32 @!p0 $0x0, s1;
	[sflag:s0] =	ssyncset.done @!p0 $0x0  }
0x44: {  	[sflag:s0] =	ssyncadd.s32 @!p0 s1  }
0x45: {  	[bflag:$0x3] =	sbarrier.arrive $0xFFFF  }
0x46: {  	_ =	shalt  }

// kernel: kernel.13.cloned.1.call-start
scs
__scs_entry_jumppad:
0x0: {  	(pc) =	sbr.rel $0x88, $3  }
0x1: {  	(tag) =	ssettag $0x0;
	lr =	simm.s32 $0x1  }
0x2: {  	[smem:$0x3F96] =	sst lr;
	_ =	strace $0xD0000000  }
0x3: {  	_ = 	snop  }
0x4: {  	_ = 	snop  }
0x5: {  	_ = 	snop  }
0x6: {  	_ = 	snop  }
0x7: {  	_ = 	snop  }
__scs_overlays_trampoline_lowered:
0x8: {  	[smem:$0x3FA5] =	sst s0  }
0x9: {  	[smem:$0x3FA6] =	sst s1  }
0xa: {  	[smem:$0x3FA7] =	sst s2  }
0xb: {  	[smem:$0x3FA8] =	sst s3  }
0xc: {  	[smem:$0x3FA9] =	sst s4  }
0xd: {  	[smem:$0x3FAA] =	sst s5  }
0xe: {  	[smem:$0x3FAB] =	sst s6  }
0xf: {  	[smem:$0x3FAC] =	sst s7  }
0x10: {  	[smem:$0x3FAD] =	sst s8  }
0x11: {  	[smem:$0x3FAE] =	sst s9;
	s0 =	simm.s32 @!p0 $0x0  }
0x12: {  	s1 =	sld [smem:$0x3F94];
	s0 =	simm.s32 @p0 $0x1  }
0x13: {  	[smem:$0x3FAF] =	sst s0;
	s0 =	simm.s32 @!p1 $0x0  }
0x14: {  	s2 =	sld [smem:$0x3F93];
	s0 =	simm.s32 @p1 $0x1  }
0x15: {  	[smem:$0x3FB0] =	sst s0;
	s0 =	simm.s32 @!p2 $0x0  }
0x16: {  	s3 =	sld [smem:$0x3FDB];
	s0 =	simm.s32 @p2 $0x1  }
0x17: {  	s4 =	simm.s32 $0x1BF5;
	[smem:$0x3FB2] =	sst s0  }
0x18: {  	s0 =	sld [smem:$0x3F95];
	_ =	swait.ge [sflag:s4], $0x0  }
0x19: {  	s7 =	sld [smem:$0x3F96]  }
0x1a: {  	s8 =	sadd.s32 $0xFFFFE003, lr  }
0x1b: {  	s9 =	sadd.s32 $0xFFFFFEF7, lr;
	s5 =	simm.s32 $0xFFFFFFFF;
	p2 =	slt.u32 s8, $0xFFFFF086  }
0x1c: {  	p1 =	slt.u32 s9, $0xF7A;
	s5 =	simm.s32 @!p2 $0x0  }
0x1d: {  	s5 =	simm.s32 @p1 $0x1;
	p0 =	seq.s32 s7, s2  }
0x1e: {  	s7 =	smul.u32 @!p0 $0xF7A, s2;
	p2 =	seq.s32 @!p0 s5, $0x0  }
0x1f: {  	s9 =	smul.u32 $0xF7A, s1;
	s8 =	simm.s32 @!p0 $0x1BF5;
	p2 =	por !p2, p0  }
0x20: {  	[sflag:s8] =	ssyncset.s32 @!p0 $0xFFFFF086;
	s6 =	sadd.s32 @!p0 s3, s7;
	s7 =	simm.s32 @!p0 $0x108  }
0x21: {  	s3 =	sadd.s32 s3, s9;
	s6 =	sadd.s32 @!p0 $0x88, s6;
	s7 =	simm.s32 @p2 $0x1082  }
0x22: {  	[simem:s7], [sflag:s8] =	dma.local @!p0 [hbm:s6], $0xF7A  }
0x23: {  	s9 =	sor.u32 $0xD0000000, s2;
	s6 =	simm.s32 $0x108;
	_ =	swait.ge @!p0 [sflag:s8], $0x0  }
0x24: {  	s3 =	sadd.s32 $0x88, s3;
	s6 =	simm.s32 @!p1 $0x1082;
	[sflag:s4] =	ssyncset.s32 $0xFFFFF086  }
0x25: {  	[simem:s6], [sflag:s4] =	dma.local [hbm:s3], $0xF7A  }
0x26: {  	[smem:$0x3F96] =	sst s1;
	(tag) =	ssettag s2;
	_ =	strace s9  }
0x27: {  	s1 =	sld [smem:$0x3FA6]  }
0x28: {  	s2 =	sld [smem:$0x3FA7]  }
0x29: {  	s4 =	sld [smem:$0x3FA9]  }
0x2a: {  	p0 =	seq.s32 s5, $0x0;
	s5 =	sld [smem:$0x3FAA]  }
0x2b: {  	s6 =	sld [smem:$0x3FAB]  }
0x2c: {  	s7 =	sld [smem:$0x3FAC]  }
0x2d: {  	s3 =	simm.s32 $0x108;
	s8 =	sld [smem:$0x3FAD]  }
0x2e: {  	s3 =	simm.s32 @!p0 $0x1082;
	s9 =	sld [smem:$0x3FAE]  }
0x2f: {  	lr =	sadd.s32 s0, s3;
	s0 =	sld [smem:$0x3FA5]  }
0x30: {  	s3 =	sld [smem:$0x3FA8]  }
0x31: {  	[smem:$0x3FB1] =	sst s10  }
0x32: {  	s10 =	sld [smem:$0x3FAF];
	_ =	sdelay $0x3  }
0x33: {  	p0 =	seq.s32 s10, $0x1;
	s10 =	sld [smem:$0x3FB1];
	_ =	sdelay $0x3  }
0x34: {  	[smem:$0x3FB1] =	sst s10  }
0x35: {  	s10 =	sld [smem:$0x3FB0];
	_ =	sdelay $0x3  }
0x36: {  	p1 =	seq.s32 s10, $0x1;
	s10 =	sld [smem:$0x3FB1];
	_ =	sdelay $0x3  }
0x37: {  	[smem:$0x3FB1] =	sst s10  }
0x38: {  	s10 =	sld [smem:$0x3FB2]  }
0x39: {  	_ = 	snop;
	(pc) =	sbr.ind lr, $3  }
0x3a: {  	_ = 	snop  }
0x3b: {  	_ = 	snop  }
0x3c: {  	p2 =	seq.s32 s10, $0x1;
	s10 =	sld [smem:$0x3FB1]  }
0x3d: {  	_ =	shalt  }
0x3e: {  	_ =	shalt  }
0x3f: {  	_ =	shalt  }
0x40: {  	_ =	shalt  }
0x41: {  	_ =	shalt  }
0x42: {  	_ =	shalt  }
0x43: {  	_ =	shalt  }
0x44: {  	_ =	shalt  }
0x45: {  	_ =	shalt  }
0x46: {  	_ =	shalt  }
0x47: {  	_ =	shalt  }
0x48: {  	_ =	shalt  }
0x49: {  	_ =	shalt  }
0x4a: {  	_ =	shalt  }
0x4b: {  	_ =	shalt  }
0x4c: {  	_ =	shalt  }
0x4d: {  	_ =	shalt  }
0x4e: {  	_ =	shalt  }
0x4f: {  	_ =	shalt  }
0x50: {  	_ =	shalt  }
0x51: {  	_ =	shalt  }
0x52: {  	_ =	shalt  }
0x53: {  	_ =	shalt  }
0x54: {  	_ =	shalt  }
0x55: {  	_ =	shalt  }
0x56: {  	_ =	shalt  }
0x57: {  	_ =	shalt  }
0x58: {  	_ =	shalt  }
0x59: {  	_ =	shalt  }
0x5a: {  	_ =	shalt  }
0x5b: {  	_ =	shalt  }
0x5c: {  	_ =	shalt  }
0x5d: {  	_ =	shalt  }
0x5e: {  	_ =	shalt  }
0x5f: {  	_ =	shalt  }
0x60: {  	_ =	shalt  }
0x61: {  	_ =	shalt  }
0x62: {  	_ =	shalt  }
0x63: {  	_ =	shalt  }
0x64: {  	_ =	shalt  }
0x65: {  	_ =	shalt  }
0x66: {  	_ =	shalt  }
0x67: {  	_ =	shalt  }
0x68: {  	_ =	shalt  }
0x69: {  	_ =	shalt  }
0x6a: {  	_ =	shalt  }
0x6b: {  	_ =	shalt  }
0x6c: {  	_ =	shalt  }
0x6d: {  	_ =	shalt  }
0x6e: {  	_ =	shalt  }
0x6f: {  	_ =	shalt  }
0x70: {  	_ =	shalt  }
0x71: {  	_ =	shalt  }
0x72: {  	_ =	shalt  }
0x73: {  	_ =	shalt  }
0x74: {  	_ =	shalt  }
0x75: {  	_ =	shalt  }
0x76: {  	_ =	shalt  }
0x77: {  	_ =	shalt  }
0x78: {  	_ =	shalt  }
0x79: {  	_ =	shalt  }
0x7a: {  	_ =	shalt  }
0x7b: {  	_ =	shalt  }
0x7c: {  	_ =	shalt  }
0x7d: {  	_ =	shalt  }
0x7e: {  	_ =	shalt  }
0x7f: {  	_ =	shalt  }
0x80: {  	_ =	shalt  }
0x81: {  	_ =	shalt  }
0x82: {  	_ =	shalt  }
0x83: {  	_ =	shalt  }
0x84: {  	_ =	shalt  }
0x85: {  	_ =	shalt  }
0x86: {  	_ =	shalt  }
0x87: {  	_ =	shalt  }
.Lfunc_end0:
.L_simem_size_0:
called_computation.1_lowered:
.L_overlay_start_0:
0x88: {  	s2 =	sld [smem:$0x3FD9]  }
0x89: {  	s3 =	sld [smem:$0x3FFE];
	_ =	sdelay $0x1  }
0x8a: {  	s1 =	srdreg.scid  }
0x8b: {  	s0 =	sand.u32 $0x1, s1  }
0x8c: {  	s16 =	sshll.u32 s0, $0xA;
	s2 =	sadd.s32 s3, s2  }
0x8d: {  	s2 =	sadd.s32 s2, s16  }
0x8e: {  	[smem:$0x3FBD] =	sst s2  }
0x8f: {  	_ = 	snop  }
0x90: {  	(tm) =	ssettm $0x1  }
0x91: {  	s17 =	sld [smem:$0x3FFB];
	_ =	sdelay $0x3  }
0x92: {  	_ =	strace s17  }
0x93: {  	s2 =	sld [smem:$0x3FFC];
	_ =	sdelay $0x3  }
0x94: {  	_ =	strace s2  }
0x95: {  	s2 =	sld [smem:$0x3FFD];
	_ =	sdelay $0x3  }
0x96: {  	_ =	strace s2  }
0x97: {  	_ =	strace $0x8FFFFFFF  }
0x98: {  	s18 =	sld [smem:$0x3FDB];
	_ =	sdelay $0x1  }
0x99: {  	s19 =	simm.s32 $_scs_section_size  }
0x9a: {  	s4 =	simm.s32 $_size__tile_overlayer_lowered;
	s5 =	simm.s32 $_tile_overlayer_lowered  }
0x9b: {  	s22 =	simm.s32 $0x1BFF;
	s21 =	sshll.u32 s5, $0x1;
	s2 =	sadd.s32 s19, s18  }
0x9c: {  	s6 =	simm.s32 $0x0;
	s20 =	sshll.u32 s4, $0x1;
	s4 =	sadd.s32 s21, s2  }
0x9d: {  	[timem:s6], [sflag:s22] =	dma.local [hbm:s4], s20  }
0x9e: {  	_ =	swait.ge [sflag:s22], s20  }
0x9f: {  	s3 =	ssub.s32 $0x0, s20;
	[sflag:s22] =	ssyncset.done $0x0  }
0xa0: {  	[sflag:s22] =	ssyncadd.s32 s3;
	_ =	sdelay $0x1  }
0xa1: {  	s23 =	simm.s32 $0x1B8B  }
0xa2: {  	_ =	swait.ge [sflag:s23], $0x1  }
0xa3: {  	[sflag:s23] =	ssyncset.done $0x0  }
0xa4: {  	s25 =	simm.s32 $0x1B8E;
	s24 =	sld [smem:$0x3FFE];
	[sflag:s23] =	ssyncadd.s32 $0xFFFFFFFF  }
0xa5: {  	s26 =	simm.s32 $execute0_lowered;
	[smem:$0x3FD2] =	sst s25  }
0xa6: {  	s4 =	sshll.u32 s26, $0x1;
	_ =	strace $0x80000049;
	[dreg:$0x1] =	wrdreg $0xFFFFFFFF  }
0xa7: {  	s28 =	simm.s32 $_size_execute0_lowered;
	s2 =	sadd.s32 s2, s4;
	[dreg:$0x0] =	wrdreg $0x0  }
0xa8: {  	s4 =	sshll.u32 s28, $0x1;
	[dreg:$0x2] =	wrdreg s2  }
0xa9: {  	[dreg:$0x3] =	wrdreg s4  }
0xaa: {  	[dreg:$0x4] =	wrdreg $0xC0  }
0xab: {  	_ =	task [dreg:s6], $0x5FFFF  }
0xac: {  	[dreg:$0x1] =	wrdreg $0xFFFFFFFF  }
0xad: {  	[dreg:$0x0] =	wrdreg $0x60  }
0xae: {  	[dreg:$0x2] =	wrdreg s24  }
0xaf: {  	[dreg:$0x3] =	wrdreg $0x0  }
0xb0: {  	[dreg:$0x4] =	wrdreg $0x9  }
0xb1: {  	_ =	task.clear_ibuf [dreg:s6], $0x5FFFF;
	_ =	strace $0x90000049  }
0xb2: {  	s29 =	simm.s32 $0x9;
	_ =	strace $0x8000004B  }
0xb3: {  	_ =	swait.ge [sflag:s29], $0x1  }
0xb4: {  	[sflag:s29] =	ssyncadd.s32 $0xFFFFFFFF  }
0xb5: {  	_ =	strace $0x9000004B  }
0xb6: {  	_ =	sfence  }
0xb7: {  	s30 =	sld [smem:$0x0];
	_ =	sdelay $0x2  }
0xb8: {  	s31 =	sshll.u32 s1, $0xD;
	s1 =	sshrl.u32 s1, $0x2  }
0xb9: {  	s3 =	sand.u32 $0x4000, s31;
	s1 =	sadd.s32 s1, s30  }
0xba: {  	s0 =	sor.u32 s3, s0;
	s1 =	sshll.u32 s1, $0x11  }
0xbb: {  	s0 =	sor.u32 s1, s0  }
0xbc: {  	s0 =	sadd.s32 $0x8F2B, s0  }
0xbd: {  	[sflag:s0] =	ssyncadd.remote.s32 $0x1  }
0xbe: {  	_ =	sfence.sel $0xFFFF  }
0xbf: {  	[dreg:$0x0] =	wrdreg $0xFFFFFFFF;
	(pc) =	sbr.abs _section_cstart, $3  }
0xc0: {  	[dreg:$0x1] =	wrdreg $0xFFFFFFFF  }
0xc1: {  	_ =	task.clear_ibuf [dreg:s6], $0x2FFFF;
	_ =	strace $0x9FFFFFFF  }
0xc2: {  	(tm) =	ssettm $0x7FFFFFFF  }
0xc3: {  	_ =	shalt  }
tec
execute0_lowered:
.L_overlay_start_1:
0x0: {  	(tag) =	ssettag $0x1  }
0x1: {  	s8 =	rddreg [dreg:$0x0]  }
0x2: {  	s1 =	rddreg [dreg:$0x1]  }
0x3: {  	s0 =	rddreg [dreg:$0x2];
	s3 =	simm.s32 $0x0;
	s2 =	srdreg.scid  }
0x4: {  	s18 =	simm.s32 $0x14000;
	s19 =	simm.s32 $0x14080;
	s20 =	simm.s32 $0x80  }
0x5: {  	s21 =	simm.s32 $0x14100;
	s22 =	simm.s32 $0x1;
	s9 =	sand.u32 $0x1, s2  }
0x6: {  	s23 =	simm.s32 $0x0;
	s2 =	stileid.u32;
	s7 =	smul.u32 $0x140000, s9  }
0x7: {  	[smem:$0x7FF] =	sst s3;
	s4 =	sadd.s32 $0x17800, s8;
	s10 =	smul.u32 $0x14000, s2  }
0x8: {  	s5 =	sadd.s32 $0x3800, s8;
	s6 =	sadd.s32 $0xD800, s8;
	s12 =	smul.u32 $0x50000, s2  }
0x9: {  	_ =	strace $0x8000004A;
	s11 =	ssub.s32 $0x2, s9;
	s9 =	smul.u32 $0x28000, s9  }
0xa: {  	s30 =	sshll.u32 s2, $0x6;
	s31 =	smul.u32 $0x2800, s2;
	s13 =	sshrl.u32 s11, $0x1  }
0xb: {  	s10 =	sadd.s32 s10, s7;
	s7 =	sadd.s32 $0x3F800, s8;
	s11 =	ssub.s32 s11, s13  }
0xc: {  	s29 =	sshrl.u32 s12, $0x2;
	s9 =	sadd.s32 s31, s9;
	s13 =	simm.s32 $0x2  }
0xd: {  	s10 =	sshrl.u32 s10, $0x3;
	s12 =	sadd.s32 s29, s1;
	s11 =	smax.u32 s11, $0x1  }
0xe: {  	s10 =	sadd.s32 s10, s8;
	s8 =	sor.u32 $0x1C02, s30;
	s14 =	sadd.s32 $0x4000, s12  }
0xf: {  	s15 =	sadd.s32 $0x8000, s12;
	s16 =	sadd.s32 $0xC000, s12;
	s17 =	sadd.s32 $0x10000, s12  }
0x10: {  	s12 =	sshrl.u32 s12, $0x3;
	s10 =	sadd.s32 $0x40000, s10;
	s14 =	sshrl.u32 s14, $0x3  }
0x11: {  	s15 =	sshrl.u32 s15, $0x3;
	s16 =	sshrl.u32 s16, $0x3;
	s17 =	sshrl.u32 s17, $0x3  }
.LBB2_1:
0x12: {  	[spmem:s12], [sflag:s8] =	dma.local [hbm:s7], $0x800  }
0x13: {  	_ =	swait.ge [sflag:s13], $0x800  }
0x14: {  	[sflag:s13] =	ssyncset.done $0x0  }
0x15: {  	[sflag:s13] =	ssyncadd.s32 $0xFFFFF800  }
0x16: {  	[spmem:s14], [sflag:s8] =	dma.local [hbm:s7], $0x800  }
0x17: {  	_ =	swait.ge [sflag:s13], $0x800  }
0x18: {  	[sflag:s13] =	ssyncset.done $0x0  }
0x19: {  	[sflag:s13] =	ssyncadd.s32 $0xFFFFF800  }
0x1a: {  	[spmem:s15], [sflag:s8] =	dma.local [hbm:s7], $0x800  }
0x1b: {  	_ =	swait.ge [sflag:s13], $0x800  }
0x1c: {  	[sflag:s13] =	ssyncset.done $0x0  }
0x1d: {  	[sflag:s13] =	ssyncadd.s32 $0xFFFFF800  }
0x1e: {  	[spmem:s16], [sflag:s8] =	dma.local [hbm:s7], $0x800  }
0x1f: {  	_ =	swait.ge [sflag:s13], $0x800  }
0x20: {  	[sflag:s13] =	ssyncset.done $0x0  }
0x21: {  	s24 =	sand.u32 $0x3C00, s3;
	[sflag:s13] =	ssyncadd.s32 $0xFFFFF800  }
0x22: {  	[spmem:s17], [sflag:s8] =	dma.local [hbm:s7], $0x800  }
0x23: {  	s25 =	sand.u32 $0x380, s3;
	s24 =	sadd.s32 s24, s9;
	_ =	swait.ge [sflag:s13], $0x800  }
0x24: {  	s24 =	sor.u32 s25, s24;
	[sflag:s13] =	ssyncset.done $0x0  }
0x25: {  	s24 =	sshrl.u32 s24, $0x3;
	[sflag:s13] =	ssyncadd.s32 $0xFFFFF800  }
0x26: {  	s29 =	sadd.s32 s5, s24;
	[bflag:$0x0] =	sbarrier.arrive $0xFFFF  }
0x27: {  	[tilespmem:s18], [sflag:$0x2] =	stream.linear.gather [hbm4b:s29+s3], $0x80, $0x38;
	[tilespmem:$0x18100] =	vst v63  }
0x28: {  	_ =	swait.ge [sflag:s13], $0x80  }
0x29: {  	[sflag:s13] =	ssyncset.done $0x0  }
0x2a: {  	s24 =	sadd.s32 s6, s24;
	[sflag:s13] =	ssyncadd.s32 $0xFFFFFF80  }
0x2b: {  	[tilespmem:s19], [sflag:$0x2] =	stream.linear.gather [hbm4b:s24+s3], $0x80, $0x38;
	[tilespmem:$0x18100] =	vst v63  }
0x2c: {  	_ =	swait.ge [sflag:s13], $0x80  }
0x2d: {  	[sflag:s13] =	ssyncset.done $0x0  }
0x2e: {  	[sflag:s13] =	ssyncadd.s32 $0xFFFFFF80  }
0x2f: {  	[tilespmem:s21], [sflag:$0x1] =	stream.indirect.gather [hbm4b:s4+s20], $0x80, s18, s20, $0xb8;
	[tilespmem:$0x18100] =	vst v63  }
0x30: {  	_ =	swait.ge [sflag:s22], $0x4000  }
0x31: {  	s30 =	simm.s32 $0x80;
	[sflag:s22] =	ssyncset.done $0x0  }
0x32: {  	s31 =	sand.u32 $0x3C00, s30;
	[sflag:s22] =	ssyncadd.s32 $0xFFFFC000  }
0x33: {  	[spmem:s1] =	stream.indirect.scatter.add.f32 [tilespmem:s21], [sflag:$0x2], $0x80, s19, s20, $0xb8;
	[tilespmem:$0x18100] =	vst v63  }
0x34: {  	s26 =	sand.u32 $0x380, s30;
	s25 =	sadd.s32 s31, s9;
	_ =	swait.ge [sflag:s13], $0x4000  }
0x35: {  	s25 =	sor.u32 s26, s25;
	s24 =	simm.s32 $0x100;
	[sflag:s13] =	ssyncset.done $0x0  }
.LBB2_2:
0x36: {  	s25 =	sshrl.u32 s25, $0x3  }
0x37: {  	[sflag:s13] =	ssyncadd.s32 $0xFFFFC000;
	s26 =	smov.u32 s24;
	s28 =	sadd.s32 $0x80, s24  }
0x38: {  	p0 =	sne.s32 s24, $0x2780;
	s24 =	sadd.s32 s5, s25  }
0x39: {  	[tilespmem:s18], [sflag:$0x2] =	stream.linear.gather [hbm4b:s24+s3], $0x80, $0x38;
	[tilespmem:$0x18100] =	vst v63  }
0x3a: {  	_ =	swait.ge [sflag:s13], $0x80  }
0x3b: {  	[sflag:s13] =	ssyncset.done $0x0  }
0x3c: {  	s24 =	sadd.s32 s6, s25;
	[sflag:s13] =	ssyncadd.s32 $0xFFFFFF80  }
0x3d: {  	[tilespmem:s19], [sflag:$0x2] =	stream.linear.gather [hbm4b:s24+s3], $0x80, $0x38;
	[tilespmem:$0x18100] =	vst v63  }
0x3e: {  	_ =	swait.ge [sflag:s13], $0x80  }
0x3f: {  	[sflag:s13] =	ssyncset.done $0x0  }
0x40: {  	[sflag:s13] =	ssyncadd.s32 $0xFFFFFF80  }
0x41: {  	[tilespmem:s21], [sflag:$0x1] =	stream.indirect.gather [hbm4b:s4+s20], $0x80, s18, s20, $0xb8;
	[tilespmem:$0x18100] =	vst v63  }
0x42: {  	_ =	swait.ge [sflag:s22], $0x4000  }
.Ltmp0:
0x43: {  	[sflag:s22] =	ssyncset.done $0x0;
	(pc) =	sbr.rel @p0 .LBB2_2-.Ltmp0, $4  }
0x44: {  	s24 =	sand.u32 $0x3C00, s26;
	[sflag:s22] =	ssyncadd.s32 $0xFFFFC000  }
0x45: {  	[spmem:s1] =	stream.indirect.scatter.add.f32 [tilespmem:s21], [sflag:$0x2], $0x80, s19, s20, $0xb8;
	[tilespmem:$0x18100] =	vst v63  }
0x46: {  	s25 =	sand.u32 $0x380, s26;
	s24 =	sadd.s32 s24, s9;
	_ =	swait.ge [sflag:s13], $0x4000  }
0x47: {  	s25 =	sor.u32 s25, s24;
	s24 =	smov.u32 s28;
	[sflag:s13] =	ssyncset.done $0x0  }
0x48: {  	s24 =	sshrl.u32 s25, $0x3  }
0x49: {  	[sflag:s13] =	ssyncadd.s32 $0xFFFFC000;
	s25 =	sadd.s32 s5, s24  }
0x4a: {  	[tilespmem:s18], [sflag:$0x2] =	stream.linear.gather [hbm4b:s25+s3], $0x80, $0x38;
	[tilespmem:$0x18100] =	vst v63  }
0x4b: {  	_ =	swait.ge [sflag:s13], $0x80  }
0x4c: {  	[sflag:s13] =	ssyncset.done $0x0  }
0x4d: {  	s24 =	sadd.s32 s6, s24;
	[sflag:s13] =	ssyncadd.s32 $0xFFFFFF80  }
0x4e: {  	[tilespmem:s19], [sflag:$0x2] =	stream.linear.gather [hbm4b:s24+s3], $0x80, $0x38;
	[tilespmem:$0x18100] =	vst v63  }
0x4f: {  	_ =	swait.ge [sflag:s13], $0x80  }
0x50: {  	[sflag:s13] =	ssyncset.done $0x0  }
0x51: {  	[sflag:s13] =	ssyncadd.s32 $0xFFFFFF80  }
0x52: {  	[tilespmem:s21], [sflag:$0x1] =	stream.indirect.gather [hbm4b:s4+s20], $0x80, s18, s20, $0xb8;
	[tilespmem:$0x18100] =	vst v63  }
0x53: {  	_ =	swait.ge [sflag:s22], $0x4000  }
0x54: {  	[sflag:s22] =	ssyncset.done $0x0  }
0x55: {  	[sflag:s22] =	ssyncadd.s32 $0xFFFFC000  }
0x56: {  	[spmem:s1] =	stream.indirect.scatter.add.f32 [tilespmem:s21], [sflag:$0x2], $0x80, s19, s20, $0xb8;
	[tilespmem:$0x18100] =	vst v63  }
0x57: {  	_ =	swait.ge [sflag:s13], $0x4000  }
0x58: {  	s23 =	sadd.s32 $0x1, s23;
	[sflag:s13] =	ssyncset.done $0x0  }
0x59: {  	p0 =	sne.s32 s23, s11;
	[sflag:s13] =	ssyncadd.s32 $0xFFFFC000  }
.Ltmp1:
0x5a: {  	[bflag:$0x0] =	sbarrier.arrive $0xFFFF;
	(pc) =	sbr.rel @p0 .LBB2_1-.Ltmp1, $4  }
0x5b: {  	[hbm:s10], [sflag:s8] =	dma.local [spmem:s12], $0x2800  }
0x5c: {  	_ =	swait.ge [sflag:s13], $0x2800  }
0x5d: {  	[sflag:s13] =	ssyncset.done $0x0  }
0x5e: {  	[sflag:s13] =	ssyncadd.s32 $0xFFFFD800  }
0x5f: {  	_ =	sfence.sel $0x180000  }
0x60: {  	[bflag:$0x0] =	sbarrier.arrive $0xFFFF  }
0x61: {  	p0 =	sne.s32 s2, $0x0;
	_ =	strace $0x9000004A  }
0x62: {  	s0 =	sadd.s32 @!p0 $0x100000, s0;
	[bflag:$0x2] =	sbarrier.arrive $0xFFFF  }
0x63: {  	[sflag:s0] =	ssyncadd.tile.s32 @!p0 $0x1;
	_ =	shalt  }
.Lfunc_end2:
_tile_overlayer_lowered:
.L_overlay_start_2:
0x64: {  	(tag) =	ssettag $0x2  }
0x65: {  	s0 =	rddreg [dreg:$0x0];
	s2 =	stileid.u32  }
0x66: {  	s1 =	rddreg [dreg:$0x1];
	p0 =	sne.s32 s2, $0x0  }
0x67: {  	s3 =	rddreg [dreg:$0x2];
	[bflag:$0x3] =	sbarrier.arrive $0xFFFF;
	s2 =	simm.s32 @!p0 $0x1C02  }
0x68: {  	[timem:s3], [sflag:s2] =	dma.local @!p0 [hbm:s0], s1  }
0x69: {  	s0 =	simm.s32 @!p0 $0x2  }
0x6a: {  	_ =	swait.ge @!p0 [sflag:s0], s1  }
0x6b: {  	s1 =	ssub.s32 @!p0 $0x0, s1;
	[sflag:s0] =	ssyncset.done @!p0 $0x0  }
0x6c: {  	[sflag:s0] =	ssyncadd.s32 @!p0 s1  }
0x6d: {  	[bflag:$0x3] =	sbarrier.arrive $0xFFFF  }
0x6e: {  	_ =	shalt  }

// kernel: kernel.16.cloned.1.call-start
scs
__scs_entry_jumppad:
0x0: {  	(pc) =	sbr.rel $0x88, $3  }
0x1: {  	(tag) =	ssettag $0x0;
	lr =	simm.s32 $0x1  }
0x2: {  	[smem:$0x3F96] =	sst lr;
	_ =	strace $0xD0000000  }
0x3: {  	_ = 	snop  }
0x4: {  	_ = 	snop  }
0x5: {  	_ = 	snop  }
0x6: {  	_ = 	snop  }
0x7: {  	_ = 	snop  }
__scs_overlays_trampoline_lowered:
0x8: {  	[smem:$0x3FA5] =	sst s0  }
0x9: {  	[smem:$0x3FA6] =	sst s1  }
0xa: {  	[smem:$0x3FA7] =	sst s2  }
0xb: {  	[smem:$0x3FA8] =	sst s3  }
0xc: {  	[smem:$0x3FA9] =	sst s4  }
0xd: {  	[smem:$0x3FAA] =	sst s5  }
0xe: {  	[smem:$0x3FAB] =	sst s6  }
0xf: {  	[smem:$0x3FAC] =	sst s7  }
0x10: {  	[smem:$0x3FAD] =	sst s8  }
0x11: {  	[smem:$0x3FAE] =	sst s9;
	s0 =	simm.s32 @!p0 $0x0  }
0x12: {  	s1 =	sld [smem:$0x3F94];
	s0 =	simm.s32 @p0 $0x1  }
0x13: {  	[smem:$0x3FAF] =	sst s0;
	s0 =	simm.s32 @!p1 $0x0  }
0x14: {  	s2 =	sld [smem:$0x3F93];
	s0 =	simm.s32 @p1 $0x1  }
0x15: {  	[smem:$0x3FB0] =	sst s0;
	s0 =	simm.s32 @!p2 $0x0  }
0x16: {  	s3 =	sld [smem:$0x3FDB];
	s0 =	simm.s32 @p2 $0x1  }
0x17: {  	s4 =	simm.s32 $0x1BF5;
	[smem:$0x3FB2] =	sst s0  }
0x18: {  	s0 =	sld [smem:$0x3F95];
	_ =	swait.ge [sflag:s4], $0x0  }
0x19: {  	s7 =	sld [smem:$0x3F96]  }
0x1a: {  	s8 =	sadd.s32 $0xFFFFE003, lr  }
0x1b: {  	s9 =	sadd.s32 $0xFFFFFEF7, lr;
	s5 =	simm.s32 $0xFFFFFFFF;
	p2 =	slt.u32 s8, $0xFFFFF086  }
0x1c: {  	p1 =	slt.u32 s9, $0xF7A;
	s5 =	simm.s32 @!p2 $0x0  }
0x1d: {  	s5 =	simm.s32 @p1 $0x1;
	p0 =	seq.s32 s7, s2  }
0x1e: {  	s7 =	smul.u32 @!p0 $0xF7A, s2;
	p2 =	seq.s32 @!p0 s5, $0x0  }
0x1f: {  	s9 =	smul.u32 $0xF7A, s1;
	s8 =	simm.s32 @!p0 $0x1BF5;
	p2 =	por !p2, p0  }
0x20: {  	[sflag:s8] =	ssyncset.s32 @!p0 $0xFFFFF086;
	s6 =	sadd.s32 @!p0 s3, s7;
	s7 =	simm.s32 @!p0 $0x108  }
0x21: {  	s3 =	sadd.s32 s3, s9;
	s6 =	sadd.s32 @!p0 $0x88, s6;
	s7 =	simm.s32 @p2 $0x1082  }
0x22: {  	[simem:s7], [sflag:s8] =	dma.local @!p0 [hbm:s6], $0xF7A  }
0x23: {  	s9 =	sor.u32 $0xD0000000, s2;
	s6 =	simm.s32 $0x108;
	_ =	swait.ge @!p0 [sflag:s8], $0x0  }
0x24: {  	s3 =	sadd.s32 $0x88, s3;
	s6 =	simm.s32 @!p1 $0x1082;
	[sflag:s4] =	ssyncset.s32 $0xFFFFF086  }
0x25: {  	[simem:s6], [sflag:s4] =	dma.local [hbm:s3], $0xF7A  }
0x26: {  	[smem:$0x3F96] =	sst s1;
	(tag) =	ssettag s2;
	_ =	strace s9  }
0x27: {  	s1 =	sld [smem:$0x3FA6]  }
0x28: {  	s2 =	sld [smem:$0x3FA7]  }
0x29: {  	s4 =	sld [smem:$0x3FA9]  }
0x2a: {  	p0 =	seq.s32 s5, $0x0;
	s5 =	sld [smem:$0x3FAA]  }
0x2b: {  	s6 =	sld [smem:$0x3FAB]  }
0x2c: {  	s7 =	sld [smem:$0x3FAC]  }
0x2d: {  	s3 =	simm.s32 $0x108;
	s8 =	sld [smem:$0x3FAD]  }
0x2e: {  	s3 =	simm.s32 @!p0 $0x1082;
	s9 =	sld [smem:$0x3FAE]  }
0x2f: {  	lr =	sadd.s32 s0, s3;
	s0 =	sld [smem:$0x3FA5]  }
0x30: {  	s3 =	sld [smem:$0x3FA8]  }
0x31: {  	[smem:$0x3FB1] =	sst s10  }
0x32: {  	s10 =	sld [smem:$0x3FAF];
	_ =	sdelay $0x3  }
0x33: {  	p0 =	seq.s32 s10, $0x1;
	s10 =	sld [smem:$0x3FB1];
	_ =	sdelay $0x3  }
0x34: {  	[smem:$0x3FB1] =	sst s10  }
0x35: {  	s10 =	sld [smem:$0x3FB0];
	_ =	sdelay $0x3  }
0x36: {  	p1 =	seq.s32 s10, $0x1;
	s10 =	sld [smem:$0x3FB1];
	_ =	sdelay $0x3  }
0x37: {  	[smem:$0x3FB1] =	sst s10  }
0x38: {  	s10 =	sld [smem:$0x3FB2]  }
0x39: {  	_ = 	snop;
	(pc) =	sbr.ind lr, $3  }
0x3a: {  	_ = 	snop  }
0x3b: {  	_ = 	snop  }
0x3c: {  	p2 =	seq.s32 s10, $0x1;
	s10 =	sld [smem:$0x3FB1]  }
0x3d: {  	_ =	shalt  }
0x3e: {  	_ =	shalt  }
0x3f: {  	_ =	shalt  }
0x40: {  	_ =	shalt  }
0x41: {  	_ =	shalt  }
0x42: {  	_ =	shalt  }
0x43: {  	_ =	shalt  }
0x44: {  	_ =	shalt  }
0x45: {  	_ =	shalt  }
0x46: {  	_ =	shalt  }
0x47: {  	_ =	shalt  }
0x48: {  	_ =	shalt  }
0x49: {  	_ =	shalt  }
0x4a: {  	_ =	shalt  }
0x4b: {  	_ =	shalt  }
0x4c: {  	_ =	shalt  }
0x4d: {  	_ =	shalt  }
0x4e: {  	_ =	shalt  }
0x4f: {  	_ =	shalt  }
0x50: {  	_ =	shalt  }
0x51: {  	_ =	shalt  }
0x52: {  	_ =	shalt  }
0x53: {  	_ =	shalt  }
0x54: {  	_ =	shalt  }
0x55: {  	_ =	shalt  }
0x56: {  	_ =	shalt  }
0x57: {  	_ =	shalt  }
0x58: {  	_ =	shalt  }
0x59: {  	_ =	shalt  }
0x5a: {  	_ =	shalt  }
0x5b: {  	_ =	shalt  }
0x5c: {  	_ =	shalt  }
0x5d: {  	_ =	shalt  }
0x5e: {  	_ =	shalt  }
0x5f: {  	_ =	shalt  }
0x60: {  	_ =	shalt  }
0x61: {  	_ =	shalt  }
0x62: {  	_ =	shalt  }
0x63: {  	_ =	shalt  }
0x64: {  	_ =	shalt  }
0x65: {  	_ =	shalt  }
0x66: {  	_ =	shalt  }
0x67: {  	_ =	shalt  }
0x68: {  	_ =	shalt  }
0x69: {  	_ =	shalt  }
0x6a: {  	_ =	shalt  }
0x6b: {  	_ =	shalt  }
0x6c: {  	_ =	shalt  }
0x6d: {  	_ =	shalt  }
0x6e: {  	_ =	shalt  }
0x6f: {  	_ =	shalt  }
0x70: {  	_ =	shalt  }
0x71: {  	_ =	shalt  }
0x72: {  	_ =	shalt  }
0x73: {  	_ =	shalt  }
0x74: {  	_ =	shalt  }
0x75: {  	_ =	shalt  }
0x76: {  	_ =	shalt  }
0x77: {  	_ =	shalt  }
0x78: {  	_ =	shalt  }
0x79: {  	_ =	shalt  }
0x7a: {  	_ =	shalt  }
0x7b: {  	_ =	shalt  }
0x7c: {  	_ =	shalt  }
0x7d: {  	_ =	shalt  }
0x7e: {  	_ =	shalt  }
0x7f: {  	_ =	shalt  }
0x80: {  	_ =	shalt  }
0x81: {  	_ =	shalt  }
0x82: {  	_ =	shalt  }
0x83: {  	_ =	shalt  }
0x84: {  	_ =	shalt  }
0x85: {  	_ =	shalt  }
0x86: {  	_ =	shalt  }
0x87: {  	_ =	shalt  }
.Lfunc_end0:
.L_simem_size_0:
called_computation.2_lowered:
.L_overlay_start_0:
0x88: {  	s2 =	sld [smem:$0x3FD9]  }
0x89: {  	s3 =	sld [smem:$0x3FFE];
	_ =	sdelay $0x1  }
0x8a: {  	s1 =	srdreg.scid  }
0x8b: {  	s0 =	sand.u32 $0x1, s1  }
0x8c: {  	s16 =	sshll.u32 s0, $0xA;
	s2 =	sadd.s32 s3, s2  }
0x8d: {  	s2 =	sadd.s32 s2, s16  }
0x8e: {  	[smem:$0x3FBD] =	sst s2  }
0x8f: {  	_ = 	snop  }
0x90: {  	(tm) =	ssettm $0x1  }
0x91: {  	s17 =	sld [smem:$0x3FFB];
	_ =	sdelay $0x3  }
0x92: {  	_ =	strace s17  }
0x93: {  	s2 =	sld [smem:$0x3FFC];
	_ =	sdelay $0x3  }
0x94: {  	_ =	strace s2  }
0x95: {  	s2 =	sld [smem:$0x3FFD];
	_ =	sdelay $0x3  }
0x96: {  	_ =	strace s2  }
0x97: {  	_ =	strace $0x8FFFFFFF  }
0x98: {  	s18 =	sld [smem:$0x3FDB];
	_ =	sdelay $0x1  }
0x99: {  	s19 =	simm.s32 $_scs_section_size  }
0x9a: {  	s4 =	simm.s32 $_size__tile_overlayer_lowered;
	s5 =	simm.s32 $_tile_overlayer_lowered  }
0x9b: {  	s22 =	simm.s32 $0x1BFF;
	s21 =	sshll.u32 s5, $0x1;
	s2 =	sadd.s32 s19, s18  }
0x9c: {  	s6 =	simm.s32 $0x0;
	s20 =	sshll.u32 s4, $0x1;
	s4 =	sadd.s32 s21, s2  }
0x9d: {  	[timem:s6], [sflag:s22] =	dma.local [hbm:s4], s20  }
0x9e: {  	_ =	swait.ge [sflag:s22], s20  }
0x9f: {  	s3 =	ssub.s32 $0x0, s20;
	[sflag:s22] =	ssyncset.done $0x0  }
0xa0: {  	[sflag:s22] =	ssyncadd.s32 s3;
	_ =	sdelay $0x1  }
0xa1: {  	s23 =	simm.s32 $0x1B8B  }
0xa2: {  	_ =	swait.ge [sflag:s23], $0x1  }
0xa3: {  	[sflag:s23] =	ssyncset.done $0x0  }
0xa4: {  	s25 =	simm.s32 $0x1B8E;
	s24 =	sld [smem:$0x3FFE];
	[sflag:s23] =	ssyncadd.s32 $0xFFFFFFFF  }
0xa5: {  	s26 =	simm.s32 $execute0_lowered;
	[smem:$0x3FD2] =	sst s25  }
0xa6: {  	s4 =	sshll.u32 s26, $0x1;
	_ =	strace $0x8000004C;
	[dreg:$0x1] =	wrdreg $0xFFFFFFFF  }
0xa7: {  	s28 =	simm.s32 $_size_execute0_lowered;
	s2 =	sadd.s32 s2, s4;
	[dreg:$0x0] =	wrdreg $0x0  }
0xa8: {  	s4 =	sshll.u32 s28, $0x1;
	[dreg:$0x2] =	wrdreg s2  }
0xa9: {  	[dreg:$0x3] =	wrdreg s4  }
0xaa: {  	[dreg:$0x4] =	wrdreg $0xC0  }
0xab: {  	_ =	task [dreg:s6], $0x5FFFF  }
0xac: {  	[dreg:$0x1] =	wrdreg $0xFFFFFFFF  }
0xad: {  	[dreg:$0x0] =	wrdreg $0x60  }
0xae: {  	[dreg:$0x2] =	wrdreg s24  }
0xaf: {  	[dreg:$0x3] =	wrdreg $0x0  }
0xb0: {  	[dreg:$0x4] =	wrdreg $0x9  }
0xb1: {  	_ =	task.clear_ibuf [dreg:s6], $0x5FFFF;
	_ =	strace $0x9000004C  }
0xb2: {  	s29 =	simm.s32 $0x9;
	_ =	strace $0x8000004E  }
0xb3: {  	_ =	swait.ge [sflag:s29], $0x1  }
0xb4: {  	[sflag:s29] =	ssyncadd.s32 $0xFFFFFFFF  }
0xb5: {  	_ =	strace $0x9000004E  }
0xb6: {  	_ =	sfence  }
0xb7: {  	s30 =	sld [smem:$0x0];
	_ =	sdelay $0x2  }
0xb8: {  	s31 =	sshll.u32 s1, $0xD;
	s1 =	sshrl.u32 s1, $0x2  }
0xb9: {  	s3 =	sand.u32 $0x4000, s31;
	s1 =	sadd.s32 s1, s30  }
0xba: {  	s0 =	sor.u32 s3, s0;
	s1 =	sshll.u32 s1, $0x11  }
0xbb: {  	s0 =	sor.u32 s1, s0  }
0xbc: {  	s0 =	sadd.s32 $0x8F2B, s0  }
0xbd: {  	[sflag:s0] =	ssyncadd.remote.s32 $0x1  }
0xbe: {  	_ =	sfence.sel $0xFFFF  }
0xbf: {  	[dreg:$0x0] =	wrdreg $0xFFFFFFFF;
	(pc) =	sbr.abs _section_cstart, $3  }
0xc0: {  	[dreg:$0x1] =	wrdreg $0xFFFFFFFF  }
0xc1: {  	_ =	task.clear_ibuf [dreg:s6], $0x2FFFF;
	_ =	strace $0x9FFFFFFF  }
0xc2: {  	(tm) =	ssettm $0x7FFFFFFF  }
0xc3: {  	_ =	shalt  }
tec
execute0_lowered:
.L_overlay_start_1:
0x0: {  	(tag) =	ssettag $0x1  }
0x1: {  	s8 =	rddreg [dreg:$0x0]  }
0x2: {  	s1 =	rddreg [dreg:$0x1]  }
0x3: {  	s0 =	rddreg [dreg:$0x2];
	s3 =	simm.s32 $0x0;
	s2 =	srdreg.scid  }
0x4: {  	s18 =	simm.s32 $0x14000;
	s19 =	simm.s32 $0x14080;
	s20 =	simm.s32 $0x80  }
0x5: {  	s21 =	simm.s32 $0x14100;
	s22 =	simm.s32 $0x1;
	s9 =	sand.u32 $0x1, s2  }
0x6: {  	s23 =	simm.s32 $0x0;
	s2 =	stileid.u32;
	s7 =	smul.u32 $0x140000, s9  }
0x7: {  	[smem:$0x7FF] =	sst s3;
	s4 =	sadd.s32 $0x17800, s8;
	s10 =	smul.u32 $0x14000, s2  }
0x8: {  	s5 =	sadd.s32 $0x3800, s8;
	s6 =	sadd.s32 $0xD800, s8;
	s12 =	smul.u32 $0x50000, s2  }
0x9: {  	_ =	strace $0x8000004D;
	s11 =	ssub.s32 $0x2, s9;
	s9 =	smul.u32 $0x28000, s9  }
0xa: {  	s30 =	sshll.u32 s2, $0x6;
	s31 =	smul.u32 $0x2800, s2;
	s13 =	sshrl.u32 s11, $0x1  }
0xb: {  	s10 =	sadd.s32 s10, s7;
	s7 =	sadd.s32 $0x3F800, s8;
	s11 =	ssub.s32 s11, s13  }
0xc: {  	s29 =	sshrl.u32 s12, $0x2;
	s9 =	sadd.s32 s31, s9;
	s13 =	simm.s32 $0x2  }
0xd: {  	s10 =	sshrl.u32 s10, $0x3;
	s12 =	sadd.s32 s29, s1;
	s11 =	smax.u32 s11, $0x1  }
0xe: {  	s10 =	sadd.s32 s10, s8;
	s8 =	sor.u32 $0x1C02, s30;
	s14 =	sadd.s32 $0x4000, s12  }
0xf: {  	s15 =	sadd.s32 $0x8000, s12;
	s16 =	sadd.s32 $0xC000, s12;
	s17 =	sadd.s32 $0x10000, s12  }
0x10: {  	s12 =	sshrl.u32 s12, $0x3;
	s10 =	sadd.s32 $0x40000, s10;
	s14 =	sshrl.u32 s14, $0x3  }
0x11: {  	s15 =	sshrl.u32 s15, $0x3;
	s16 =	sshrl.u32 s16, $0x3;
	s17 =	sshrl.u32 s17, $0x3  }
.LBB2_1:
0x12: {  	[spmem:s12], [sflag:s8] =	dma.local [hbm:s7], $0x800  }
0x13: {  	_ =	swait.ge [sflag:s13], $0x800  }
0x14: {  	[sflag:s13] =	ssyncset.done $0x0  }
0x15: {  	[sflag:s13] =	ssyncadd.s32 $0xFFFFF800  }
0x16: {  	[spmem:s14], [sflag:s8] =	dma.local [hbm:s7], $0x800  }
0x17: {  	_ =	swait.ge [sflag:s13], $0x800  }
0x18: {  	[sflag:s13] =	ssyncset.done $0x0  }
0x19: {  	[sflag:s13] =	ssyncadd.s32 $0xFFFFF800  }
0x1a: {  	[spmem:s15], [sflag:s8] =	dma.local [hbm:s7], $0x800  }
0x1b: {  	_ =	swait.ge [sflag:s13], $0x800  }
0x1c: {  	[sflag:s13] =	ssyncset.done $0x0  }
0x1d: {  	[sflag:s13] =	ssyncadd.s32 $0xFFFFF800  }
0x1e: {  	[spmem:s16], [sflag:s8] =	dma.local [hbm:s7], $0x800  }
0x1f: {  	_ =	swait.ge [sflag:s13], $0x800  }
0x20: {  	[sflag:s13] =	ssyncset.done $0x0  }
0x21: {  	s24 =	sand.u32 $0x3C00, s3;
	[sflag:s13] =	ssyncadd.s32 $0xFFFFF800  }
0x22: {  	[spmem:s17], [sflag:s8] =	dma.local [hbm:s7], $0x800  }
0x23: {  	s25 =	sand.u32 $0x380, s3;
	s24 =	sadd.s32 s24, s9;
	_ =	swait.ge [sflag:s13], $0x800  }
0x24: {  	s24 =	sor.u32 s25, s24;
	[sflag:s13] =	ssyncset.done $0x0  }
0x25: {  	s24 =	sshrl.u32 s24, $0x3;
	[sflag:s13] =	ssyncadd.s32 $0xFFFFF800  }
0x26: {  	s29 =	sadd.s32 s5, s24;
	[bflag:$0x0] =	sbarrier.arrive $0xFFFF  }
0x27: {  	[tilespmem:s18], [sflag:$0x2] =	stream.linear.gather [hbm4b:s29+s3], $0x80, $0x38;
	[tilespmem:$0x18100] =	vst v63  }
0x28: {  	_ =	swait.ge [sflag:s13], $0x80  }
0x29: {  	[sflag:s13] =	ssyncset.done $0x0  }
0x2a: {  	s24 =	sadd.s32 s6, s24;
	[sflag:s13] =	ssyncadd.s32 $0xFFFFFF80  }
0x2b: {  	[tilespmem:s19], [sflag:$0x2] =	stream.linear.gather [hbm4b:s24+s3], $0x80, $0x38;
	[tilespmem:$0x18100] =	vst v63  }
0x2c: {  	_ =	swait.ge [sflag:s13], $0x80  }
0x2d: {  	[sflag:s13] =	ssyncset.done $0x0  }
0x2e: {  	[sflag:s13] =	ssyncadd.s32 $0xFFFFFF80  }
0x2f: {  	[tilespmem:s21], [sflag:$0x1] =	stream.indirect.gather [hbm4b:s4+s20], $0x80, s18, s20, $0xb8;
	[tilespmem:$0x18100] =	vst v63  }
0x30: {  	_ =	swait.ge [sflag:s22], $0x4000  }
0x31: {  	s30 =	simm.s32 $0x80;
	[sflag:s22] =	ssyncset.done $0x0  }
0x32: {  	s31 =	sand.u32 $0x3C00, s30;
	[sflag:s22] =	ssyncadd.s32 $0xFFFFC000  }
0x33: {  	[spmem:s1] =	stream.indirect.scatter.add.f32 [tilespmem:s21], [sflag:$0x2], $0x80, s19, s20, $0xb8;
	[tilespmem:$0x18100] =	vst v63  }
0x34: {  	s26 =	sand.u32 $0x380, s30;
	s25 =	sadd.s32 s31, s9;
	_ =	swait.ge [sflag:s13], $0x4000  }
0x35: {  	s25 =	sor.u32 s26, s25;
	s24 =	simm.s32 $0x100;
	[sflag:s13] =	ssyncset.done $0x0  }
.LBB2_2:
0x36: {  	s25 =	sshrl.u32 s25, $0x3  }
0x37: {  	[sflag:s13] =	ssyncadd.s32 $0xFFFFC000;
	s26 =	smov.u32 s24;
	s28 =	sadd.s32 $0x80, s24  }
0x38: {  	p0 =	sne.s32 s24, $0x2780;
	s24 =	sadd.s32 s5, s25  }
0x39: {  	[tilespmem:s18], [sflag:$0x2] =	stream.linear.gather [hbm4b:s24+s3], $0x80, $0x38;
	[tilespmem:$0x18100] =	vst v63  }
0x3a: {  	_ =	swait.ge [sflag:s13], $0x80  }
0x3b: {  	[sflag:s13] =	ssyncset.done $0x0  }
0x3c: {  	s24 =	sadd.s32 s6, s25;
	[sflag:s13] =	ssyncadd.s32 $0xFFFFFF80  }
0x3d: {  	[tilespmem:s19], [sflag:$0x2] =	stream.linear.gather [hbm4b:s24+s3], $0x80, $0x38;
	[tilespmem:$0x18100] =	vst v63  }
0x3e: {  	_ =	swait.ge [sflag:s13], $0x80  }
0x3f: {  	[sflag:s13] =	ssyncset.done $0x0  }
0x40: {  	[sflag:s13] =	ssyncadd.s32 $0xFFFFFF80  }
0x41: {  	[tilespmem:s21], [sflag:$0x1] =	stream.indirect.gather [hbm4b:s4+s20], $0x80, s18, s20, $0xb8;
	[tilespmem:$0x18100] =	vst v63  }
0x42: {  	_ =	swait.ge [sflag:s22], $0x4000  }
.Ltmp0:
0x43: {  	[sflag:s22] =	ssyncset.done $0x0;
	(pc) =	sbr.rel @p0 .LBB2_2-.Ltmp0, $4  }
0x44: {  	s24 =	sand.u32 $0x3C00, s26;
	[sflag:s22] =	ssyncadd.s32 $0xFFFFC000  }
0x45: {  	[spmem:s1] =	stream.indirect.scatter.add.f32 [tilespmem:s21], [sflag:$0x2], $0x80, s19, s20, $0xb8;
	[tilespmem:$0x18100] =	vst v63  }
0x46: {  	s25 =	sand.u32 $0x380, s26;
	s24 =	sadd.s32 s24, s9;
	_ =	swait.ge [sflag:s13], $0x4000  }
0x47: {  	s25 =	sor.u32 s25, s24;
	s24 =	smov.u32 s28;
	[sflag:s13] =	ssyncset.done $0x0  }
0x48: {  	s24 =	sshrl.u32 s25, $0x3  }
0x49: {  	[sflag:s13] =	ssyncadd.s32 $0xFFFFC000;
	s25 =	sadd.s32 s5, s24  }
0x4a: {  	[tilespmem:s18], [sflag:$0x2] =	stream.linear.gather [hbm4b:s25+s3], $0x80, $0x38;
	[tilespmem:$0x18100] =	vst v63  }
0x4b: {  	_ =	swait.ge [sflag:s13], $0x80  }
0x4c: {  	[sflag:s13] =	ssyncset.done $0x0  }
0x4d: {  	s24 =	sadd.s32 s6, s24;
	[sflag:s13] =	ssyncadd.s32 $0xFFFFFF80  }
0x4e: {  	[tilespmem:s19], [sflag:$0x2] =	stream.linear.gather [hbm4b:s24+s3], $0x80, $0x38;
	[tilespmem:$0x18100] =	vst v63  }
0x4f: {  	_ =	swait.ge [sflag:s13], $0x80  }
0x50: {  	[sflag:s13] =	ssyncset.done $0x0  }
0x51: {  	[sflag:s13] =	ssyncadd.s32 $0xFFFFFF80  }
0x52: {  	[tilespmem:s21], [sflag:$0x1] =	stream.indirect.gather [hbm4b:s4+s20], $0x80, s18, s20, $0xb8;
	[tilespmem:$0x18100] =	vst v63  }
0x53: {  	_ =	swait.ge [sflag:s22], $0x4000  }
0x54: {  	[sflag:s22] =	ssyncset.done $0x0  }
0x55: {  	[sflag:s22] =	ssyncadd.s32 $0xFFFFC000  }
0x56: {  	[spmem:s1] =	stream.indirect.scatter.add.f32 [tilespmem:s21], [sflag:$0x2], $0x80, s19, s20, $0xb8;
	[tilespmem:$0x18100] =	vst v63  }
0x57: {  	_ =	swait.ge [sflag:s13], $0x4000  }
0x58: {  	s23 =	sadd.s32 $0x1, s23;
	[sflag:s13] =	ssyncset.done $0x0  }
0x59: {  	p0 =	sne.s32 s23, s11;
	[sflag:s13] =	ssyncadd.s32 $0xFFFFC000  }
.Ltmp1:
0x5a: {  	[bflag:$0x0] =	sbarrier.arrive $0xFFFF;
	(pc) =	sbr.rel @p0 .LBB2_1-.Ltmp1, $4  }
0x5b: {  	[hbm:s10], [sflag:s8] =	dma.local [spmem:s12], $0x2800  }
0x5c: {  	_ =	swait.ge [sflag:s13], $0x2800  }
0x5d: {  	[sflag:s13] =	ssyncset.done $0x0  }
0x5e: {  	[sflag:s13] =	ssyncadd.s32 $0xFFFFD800  }
0x5f: {  	_ =	sfence.sel $0x180000  }
0x60: {  	[bflag:$0x0] =	sbarrier.arrive $0xFFFF  }
0x61: {  	p0 =	sne.s32 s2, $0x0;
	_ =	strace $0x9000004D  }
0x62: {  	s0 =	sadd.s32 @!p0 $0x100000, s0;
	[bflag:$0x2] =	sbarrier.arrive $0xFFFF  }
0x63: {  	[sflag:s0] =	ssyncadd.tile.s32 @!p0 $0x1;
	_ =	shalt  }
.Lfunc_end2:
_tile_overlayer_lowered:
.L_overlay_start_2:
0x64: {  	(tag) =	ssettag $0x2  }
0x65: {  	s0 =	rddreg [dreg:$0x0];
	s2 =	stileid.u32  }
0x66: {  	s1 =	rddreg [dreg:$0x1];
	p0 =	sne.s32 s2, $0x0  }
0x67: {  	s3 =	rddreg [dreg:$0x2];
	[bflag:$0x3] =	sbarrier.arrive $0xFFFF;
	s2 =	simm.s32 @!p0 $0x1C02  }
0x68: {  	[timem:s3], [sflag:s2] =	dma.local @!p0 [hbm:s0], s1  }
0x69: {  	s0 =	simm.s32 @!p0 $0x2  }
0x6a: {  	_ =	swait.ge @!p0 [sflag:s0], s1  }
0x6b: {  	s1 =	ssub.s32 @!p0 $0x0, s1;
	[sflag:s0] =	ssyncset.done @!p0 $0x0  }
0x6c: {  	[sflag:s0] =	ssyncadd.s32 @!p0 s1  }
0x6d: {  	[bflag:$0x3] =	sbarrier.arrive $0xFFFF  }
0x6e: {  	_ =	shalt  }

// kernel: kernel.19.cloned.1.call-start
scs
__scs_entry_jumppad:
0x0: {  	(pc) =	sbr.rel $0x88, $3  }
0x1: {  	(tag) =	ssettag $0x0;
	lr =	simm.s32 $0x1  }
0x2: {  	[smem:$0x3F96] =	sst lr;
	_ =	strace $0xD0000000  }
0x3: {  	_ = 	snop  }
0x4: {  	_ = 	snop  }
0x5: {  	_ = 	snop  }
0x6: {  	_ = 	snop  }
0x7: {  	_ = 	snop  }
__scs_overlays_trampoline_lowered:
0x8: {  	[smem:$0x3FA5] =	sst s0  }
0x9: {  	[smem:$0x3FA6] =	sst s1  }
0xa: {  	[smem:$0x3FA7] =	sst s2  }
0xb: {  	[smem:$0x3FA8] =	sst s3  }
0xc: {  	[smem:$0x3FA9] =	sst s4  }
0xd: {  	[smem:$0x3FAA] =	sst s5  }
0xe: {  	[smem:$0x3FAB] =	sst s6  }
0xf: {  	[smem:$0x3FAC] =	sst s7  }
0x10: {  	[smem:$0x3FAD] =	sst s8  }
0x11: {  	[smem:$0x3FAE] =	sst s9;
	s0 =	simm.s32 @!p0 $0x0  }
0x12: {  	s1 =	sld [smem:$0x3F94];
	s0 =	simm.s32 @p0 $0x1  }
0x13: {  	[smem:$0x3FAF] =	sst s0;
	s0 =	simm.s32 @!p1 $0x0  }
0x14: {  	s2 =	sld [smem:$0x3F93];
	s0 =	simm.s32 @p1 $0x1  }
0x15: {  	[smem:$0x3FB0] =	sst s0;
	s0 =	simm.s32 @!p2 $0x0  }
0x16: {  	s3 =	sld [smem:$0x3FDB];
	s0 =	simm.s32 @p2 $0x1  }
0x17: {  	s4 =	simm.s32 $0x1BF5;
	[smem:$0x3FB2] =	sst s0  }
0x18: {  	s0 =	sld [smem:$0x3F95];
	_ =	swait.ge [sflag:s4], $0x0  }
0x19: {  	s7 =	sld [smem:$0x3F96]  }
0x1a: {  	s8 =	sadd.s32 $0xFFFFE003, lr  }
0x1b: {  	s9 =	sadd.s32 $0xFFFFFEF7, lr;
	s5 =	simm.s32 $0xFFFFFFFF;
	p2 =	slt.u32 s8, $0xFFFFF086  }
0x1c: {  	p1 =	slt.u32 s9, $0xF7A;
	s5 =	simm.s32 @!p2 $0x0  }
0x1d: {  	s5 =	simm.s32 @p1 $0x1;
	p0 =	seq.s32 s7, s2  }
0x1e: {  	s7 =	smul.u32 @!p0 $0xF7A, s2;
	p2 =	seq.s32 @!p0 s5, $0x0  }
0x1f: {  	s9 =	smul.u32 $0xF7A, s1;
	s8 =	simm.s32 @!p0 $0x1BF5;
	p2 =	por !p2, p0  }
0x20: {  	[sflag:s8] =	ssyncset.s32 @!p0 $0xFFFFF086;
	s6 =	sadd.s32 @!p0 s3, s7;
	s7 =	simm.s32 @!p0 $0x108  }
0x21: {  	s3 =	sadd.s32 s3, s9;
	s6 =	sadd.s32 @!p0 $0x88, s6;
	s7 =	simm.s32 @p2 $0x1082  }
0x22: {  	[simem:s7], [sflag:s8] =	dma.local @!p0 [hbm:s6], $0xF7A  }
0x23: {  	s9 =	sor.u32 $0xD0000000, s2;
	s6 =	simm.s32 $0x108;
	_ =	swait.ge @!p0 [sflag:s8], $0x0  }
0x24: {  	s3 =	sadd.s32 $0x88, s3;
	s6 =	simm.s32 @!p1 $0x1082;
	[sflag:s4] =	ssyncset.s32 $0xFFFFF086  }
0x25: {  	[simem:s6], [sflag:s4] =	dma.local [hbm:s3], $0xF7A  }
0x26: {  	[smem:$0x3F96] =	sst s1;
	(tag) =	ssettag s2;
	_ =	strace s9  }
0x27: {  	s1 =	sld [smem:$0x3FA6]  }
0x28: {  	s2 =	sld [smem:$0x3FA7]  }
0x29: {  	s4 =	sld [smem:$0x3FA9]  }
0x2a: {  	p0 =	seq.s32 s5, $0x0;
	s5 =	sld [smem:$0x3FAA]  }
0x2b: {  	s6 =	sld [smem:$0x3FAB]  }
0x2c: {  	s7 =	sld [smem:$0x3FAC]  }
0x2d: {  	s3 =	simm.s32 $0x108;
	s8 =	sld [smem:$0x3FAD]  }
0x2e: {  	s3 =	simm.s32 @!p0 $0x1082;
	s9 =	sld [smem:$0x3FAE]  }
0x2f: {  	lr =	sadd.s32 s0, s3;
	s0 =	sld [smem:$0x3FA5]  }
0x30: {  	s3 =	sld [smem:$0x3FA8]  }
0x31: {  	[smem:$0x3FB1] =	sst s10  }
0x32: {  	s10 =	sld [smem:$0x3FAF];
	_ =	sdelay $0x3  }
0x33: {  	p0 =	seq.s32 s10, $0x1;
	s10 =	sld [smem:$0x3FB1];
	_ =	sdelay $0x3  }
0x34: {  	[smem:$0x3FB1] =	sst s10  }
0x35: {  	s10 =	sld [smem:$0x3FB0];
	_ =	sdelay $0x3  }
0x36: {  	p1 =	seq.s32 s10, $0x1;
	s10 =	sld [smem:$0x3FB1];
	_ =	sdelay $0x3  }
0x37: {  	[smem:$0x3FB1] =	sst s10  }
0x38: {  	s10 =	sld [smem:$0x3FB2]  }
0x39: {  	_ = 	snop;
	(pc) =	sbr.ind lr, $3  }
0x3a: {  	_ = 	snop  }
0x3b: {  	_ = 	snop  }
0x3c: {  	p2 =	seq.s32 s10, $0x1;
	s10 =	sld [smem:$0x3FB1]  }
0x3d: {  	_ =	shalt  }
0x3e: {  	_ =	shalt  }
0x3f: {  	_ =	shalt  }
0x40: {  	_ =	shalt  }
0x41: {  	_ =	shalt  }
0x42: {  	_ =	shalt  }
0x43: {  	_ =	shalt  }
0x44: {  	_ =	shalt  }
0x45: {  	_ =	shalt  }
0x46: {  	_ =	shalt  }
0x47: {  	_ =	shalt  }
0x48: {  	_ =	shalt  }
0x49: {  	_ =	shalt  }
0x4a: {  	_ =	shalt  }
0x4b: {  	_ =	shalt  }
0x4c: {  	_ =	shalt  }
0x4d: {  	_ =	shalt  }
0x4e: {  	_ =	shalt  }
0x4f: {  	_ =	shalt  }
0x50: {  	_ =	shalt  }
0x51: {  	_ =	shalt  }
0x52: {  	_ =	shalt  }
0x53: {  	_ =	shalt  }
0x54: {  	_ =	shalt  }
0x55: {  	_ =	shalt  }
0x56: {  	_ =	shalt  }
0x57: {  	_ =	shalt  }
0x58: {  	_ =	shalt  }
0x59: {  	_ =	shalt  }
0x5a: {  	_ =	shalt  }
0x5b: {  	_ =	shalt  }
0x5c: {  	_ =	shalt  }
0x5d: {  	_ =	shalt  }
0x5e: {  	_ =	shalt  }
0x5f: {  	_ =	shalt  }
0x60: {  	_ =	shalt  }
0x61: {  	_ =	shalt  }
0x62: {  	_ =	shalt  }
0x63: {  	_ =	shalt  }
0x64: {  	_ =	shalt  }
0x65: {  	_ =	shalt  }
0x66: {  	_ =	shalt  }
0x67: {  	_ =	shalt  }
0x68: {  	_ =	shalt  }
0x69: {  	_ =	shalt  }
0x6a: {  	_ =	shalt  }
0x6b: {  	_ =	shalt  }
0x6c: {  	_ =	shalt  }
0x6d: {  	_ =	shalt  }
0x6e: {  	_ =	shalt  }
0x6f: {  	_ =	shalt  }
0x70: {  	_ =	shalt  }
0x71: {  	_ =	shalt  }
0x72: {  	_ =	shalt  }
0x73: {  	_ =	shalt  }
0x74: {  	_ =	shalt  }
0x75: {  	_ =	shalt  }
0x76: {  	_ =	shalt  }
0x77: {  	_ =	shalt  }
0x78: {  	_ =	shalt  }
0x79: {  	_ =	shalt  }
0x7a: {  	_ =	shalt  }
0x7b: {  	_ =	shalt  }
0x7c: {  	_ =	shalt  }
0x7d: {  	_ =	shalt  }
0x7e: {  	_ =	shalt  }
0x7f: {  	_ =	shalt  }
0x80: {  	_ =	shalt  }
0x81: {  	_ =	shalt  }
0x82: {  	_ =	shalt  }
0x83: {  	_ =	shalt  }
0x84: {  	_ =	shalt  }
0x85: {  	_ =	shalt  }
0x86: {  	_ =	shalt  }
0x87: {  	_ =	shalt  }
.Lfunc_end0:
.L_simem_size_0:
called_computation.3_lowered:
.L_overlay_start_0:
0x88: {  	s2 =	sld [smem:$0x3FD9]  }
0x89: {  	s3 =	sld [smem:$0x3FFE];
	_ =	sdelay $0x1  }
0x8a: {  	s1 =	srdreg.scid  }
0x8b: {  	s0 =	sand.u32 $0x1, s1  }
0x8c: {  	s16 =	sshll.u32 s0, $0xA;
	s2 =	sadd.s32 s3, s2  }
0x8d: {  	s2 =	sadd.s32 s2, s16  }
0x8e: {  	[smem:$0x3FBD] =	sst s2  }
0x8f: {  	_ = 	snop  }
0x90: {  	(tm) =	ssettm $0x1  }
0x91: {  	s17 =	sld [smem:$0x3FFB];
	_ =	sdelay $0x3  }
0x92: {  	_ =	strace s17  }
0x93: {  	s2 =	sld [smem:$0x3FFC];
	_ =	sdelay $0x3  }
0x94: {  	_ =	strace s2  }
0x95: {  	s2 =	sld [smem:$0x3FFD];
	_ =	sdelay $0x3  }
0x96: {  	_ =	strace s2  }
0x97: {  	_ =	strace $0x8FFFFFFF  }
0x98: {  	s18 =	sld [smem:$0x3FDB];
	_ =	sdelay $0x1  }
0x99: {  	s19 =	simm.s32 $_scs_section_size  }
0x9a: {  	s4 =	simm.s32 $_size__tile_overlayer_lowered;
	s5 =	simm.s32 $_tile_overlayer_lowered  }
0x9b: {  	s22 =	simm.s32 $0x1BFF;
	s21 =	sshll.u32 s5, $0x1;
	s2 =	sadd.s32 s19, s18  }
0x9c: {  	s6 =	simm.s32 $0x0;
	s20 =	sshll.u32 s4, $0x1;
	s4 =	sadd.s32 s21, s2  }
0x9d: {  	[timem:s6], [sflag:s22] =	dma.local [hbm:s4], s20  }
0x9e: {  	_ =	swait.ge [sflag:s22], s20  }
0x9f: {  	s3 =	ssub.s32 $0x0, s20;
	[sflag:s22] =	ssyncset.done $0x0  }
0xa0: {  	[sflag:s22] =	ssyncadd.s32 s3;
	_ =	sdelay $0x1  }
0xa1: {  	s23 =	simm.s32 $0x1B8B  }
0xa2: {  	_ =	swait.ge [sflag:s23], $0x1  }
0xa3: {  	[sflag:s23] =	ssyncset.done $0x0  }
0xa4: {  	s25 =	simm.s32 $0x1B8E;
	s24 =	sld [smem:$0x3FFE];
	[sflag:s23] =	ssyncadd.s32 $0xFFFFFFFF  }
0xa5: {  	s26 =	simm.s32 $execute0_lowered;
	[smem:$0x3FD2] =	sst s25  }
0xa6: {  	s4 =	sshll.u32 s26, $0x1;
	_ =	strace $0x8000004F;
	[dreg:$0x1] =	wrdreg $0xFFFFFFFF  }
0xa7: {  	s28 =	simm.s32 $_size_execute0_lowered;
	s2 =	sadd.s32 s2, s4;
	[dreg:$0x0] =	wrdreg $0x0  }
0xa8: {  	s4 =	sshll.u32 s28, $0x1;
	[dreg:$0x2] =	wrdreg s2  }
0xa9: {  	[dreg:$0x3] =	wrdreg s4  }
0xaa: {  	[dreg:$0x4] =	wrdreg $0xC0  }
0xab: {  	_ =	task [dreg:s6], $0x5FFFF  }
0xac: {  	[dreg:$0x1] =	wrdreg $0xFFFFFFFF  }
0xad: {  	[dreg:$0x0] =	wrdreg $0x60  }
0xae: {  	[dreg:$0x2] =	wrdreg s24  }
0xaf: {  	[dreg:$0x3] =	wrdreg $0x0  }
0xb0: {  	[dreg:$0x4] =	wrdreg $0x9  }
0xb1: {  	_ =	task.clear_ibuf [dreg:s6], $0x5FFFF;
	_ =	strace $0x9000004F  }
0xb2: {  	s29 =	simm.s32 $0x9;
	_ =	strace $0x80000051  }
0xb3: {  	_ =	swait.ge [sflag:s29], $0x1  }
0xb4: {  	[sflag:s29] =	ssyncadd.s32 $0xFFFFFFFF  }
0xb5: {  	_ =	strace $0x90000051  }
0xb6: {  	_ =	sfence  }
0xb7: {  	s30 =	sld [smem:$0x0];
	_ =	sdelay $0x2  }
0xb8: {  	s31 =	sshll.u32 s1, $0xD;
	s1 =	sshrl.u32 s1, $0x2  }
0xb9: {  	s3 =	sand.u32 $0x4000, s31;
	s1 =	sadd.s32 s1, s30  }
0xba: {  	s0 =	sor.u32 s3, s0;
	s1 =	sshll.u32 s1, $0x11  }
0xbb: {  	s0 =	sor.u32 s1, s0  }
0xbc: {  	s0 =	sadd.s32 $0x8F2B, s0  }
0xbd: {  	[sflag:s0] =	ssyncadd.remote.s32 $0x1  }
0xbe: {  	_ =	sfence.sel $0xFFFF  }
0xbf: {  	[dreg:$0x0] =	wrdreg $0xFFFFFFFF;
	(pc) =	sbr.abs _section_cstart, $3  }
0xc0: {  	[dreg:$0x1] =	wrdreg $0xFFFFFFFF  }
0xc1: {  	_ =	task.clear_ibuf [dreg:s6], $0x2FFFF;
	_ =	strace $0x9FFFFFFF  }
0xc2: {  	(tm) =	ssettm $0x7FFFFFFF  }
0xc3: {  	_ =	shalt  }
tec
execute0_lowered:
.L_overlay_start_1:
0x0: {  	(tag) =	ssettag $0x1  }
0x1: {  	s8 =	rddreg [dreg:$0x0]  }
0x2: {  	s1 =	rddreg [dreg:$0x1]  }
0x3: {  	s0 =	rddreg [dreg:$0x2];
	s3 =	simm.s32 $0x0;
	s2 =	srdreg.scid  }
0x4: {  	s18 =	simm.s32 $0x14000;
	s19 =	simm.s32 $0x14080;
	s20 =	simm.s32 $0x80  }
0x5: {  	s21 =	simm.s32 $0x14100;
	s22 =	simm.s32 $0x1;
	s9 =	sand.u32 $0x1, s2  }
0x6: {  	s23 =	simm.s32 $0x0;
	s2 =	stileid.u32;
	s7 =	smul.u32 $0x140000, s9  }
0x7: {  	[smem:$0x7FF] =	sst s3;
	s4 =	sadd.s32 $0x17800, s8;
	s10 =	smul.u32 $0x14000, s2  }
0x8: {  	s5 =	sadd.s32 $0x3800, s8;
	s6 =	sadd.s32 $0xD800, s8;
	s12 =	smul.u32 $0x50000, s2  }
0x9: {  	_ =	strace $0x80000050;
	s11 =	ssub.s32 $0x2, s9;
	s9 =	smul.u32 $0x28000, s9  }
0xa: {  	s30 =	sshll.u32 s2, $0x6;
	s31 =	smul.u32 $0x2800, s2;
	s13 =	sshrl.u32 s11, $0x1  }
0xb: {  	s10 =	sadd.s32 s10, s7;
	s7 =	sadd.s32 $0x3F800, s8;
	s11 =	ssub.s32 s11, s13  }
0xc: {  	s29 =	sshrl.u32 s12, $0x2;
	s9 =	sadd.s32 s31, s9;
	s13 =	simm.s32 $0x2  }
0xd: {  	s10 =	sshrl.u32 s10, $0x3;
	s12 =	sadd.s32 s29, s1;
	s11 =	smax.u32 s11, $0x1  }
0xe: {  	s10 =	sadd.s32 s10, s8;
	s8 =	sor.u32 $0x1C02, s30;
	s14 =	sadd.s32 $0x4000, s12  }
0xf: {  	s15 =	sadd.s32 $0x8000, s12;
	s16 =	sadd.s32 $0xC000, s12;
	s17 =	sadd.s32 $0x10000, s12  }
0x10: {  	s12 =	sshrl.u32 s12, $0x3;
	s10 =	sadd.s32 $0x40000, s10;
	s14 =	sshrl.u32 s14, $0x3  }
0x11: {  	s15 =	sshrl.u32 s15, $0x3;
	s16 =	sshrl.u32 s16, $0x3;
	s17 =	sshrl.u32 s17, $0x3  }
.LBB2_1:
0x12: {  	[spmem:s12], [sflag:s8] =	dma.local [hbm:s7], $0x800  }
0x13: {  	_ =	swait.ge [sflag:s13], $0x800  }
0x14: {  	[sflag:s13] =	ssyncset.done $0x0  }
0x15: {  	[sflag:s13] =	ssyncadd.s32 $0xFFFFF800  }
0x16: {  	[spmem:s14], [sflag:s8] =	dma.local [hbm:s7], $0x800  }
0x17: {  	_ =	swait.ge [sflag:s13], $0x800  }
0x18: {  	[sflag:s13] =	ssyncset.done $0x0  }
0x19: {  	[sflag:s13] =	ssyncadd.s32 $0xFFFFF800  }
0x1a: {  	[spmem:s15], [sflag:s8] =	dma.local [hbm:s7], $0x800  }
0x1b: {  	_ =	swait.ge [sflag:s13], $0x800  }
0x1c: {  	[sflag:s13] =	ssyncset.done $0x0  }
0x1d: {  	[sflag:s13] =	ssyncadd.s32 $0xFFFFF800  }
0x1e: {  	[spmem:s16], [sflag:s8] =	dma.local [hbm:s7], $0x800  }
0x1f: {  	_ =	swait.ge [sflag:s13], $0x800  }
0x20: {  	[sflag:s13] =	ssyncset.done $0x0  }
0x21: {  	s24 =	sand.u32 $0x3C00, s3;
	[sflag:s13] =	ssyncadd.s32 $0xFFFFF800  }
0x22: {  	[spmem:s17], [sflag:s8] =	dma.local [hbm:s7], $0x800  }
0x23: {  	s25 =	sand.u32 $0x380, s3;
	s24 =	sadd.s32 s24, s9;
	_ =	swait.ge [sflag:s13], $0x800  }
0x24: {  	s24 =	sor.u32 s25, s24;
	[sflag:s13] =	ssyncset.done $0x0  }
0x25: {  	s24 =	sshrl.u32 s24, $0x3;
	[sflag:s13] =	ssyncadd.s32 $0xFFFFF800  }
0x26: {  	s29 =	sadd.s32 s5, s24;
	[bflag:$0x0] =	sbarrier.arrive $0xFFFF  }
0x27: {  	[tilespmem:s18], [sflag:$0x2] =	stream.linear.gather [hbm4b:s29+s3], $0x80, $0x38;
	[tilespmem:$0x18100] =	vst v63  }
0x28: {  	_ =	swait.ge [sflag:s13], $0x80  }
0x29: {  	[sflag:s13] =	ssyncset.done $0x0  }
0x2a: {  	s24 =	sadd.s32 s6, s24;
	[sflag:s13] =	ssyncadd.s32 $0xFFFFFF80  }
0x2b: {  	[tilespmem:s19], [sflag:$0x2] =	stream.linear.gather [hbm4b:s24+s3], $0x80, $0x38;
	[tilespmem:$0x18100] =	vst v63  }
0x2c: {  	_ =	swait.ge [sflag:s13], $0x80  }
0x2d: {  	[sflag:s13] =	ssyncset.done $0x0  }
0x2e: {  	[sflag:s13] =	ssyncadd.s32 $0xFFFFFF80  }
0x2f: {  	[tilespmem:s21], [sflag:$0x1] =	stream.indirect.gather [hbm4b:s4+s20], $0x80, s18, s20, $0xb8;
	[tilespmem:$0x18100] =	vst v63  }
0x30: {  	_ =	swait.ge [sflag:s22], $0x4000  }
0x31: {  	s30 =	simm.s32 $0x80;
	[sflag:s22] =	ssyncset.done $0x0  }
0x32: {  	s31 =	sand.u32 $0x3C00, s30;
	[sflag:s22] =	ssyncadd.s32 $0xFFFFC000  }
0x33: {  	[spmem:s1] =	stream.indirect.scatter.add.f32 [tilespmem:s21], [sflag:$0x2], $0x80, s19, s20, $0xb8;
	[tilespmem:$0x18100] =	vst v63  }
0x34: {  	s26 =	sand.u32 $0x380, s30;
	s25 =	sadd.s32 s31, s9;
	_ =	swait.ge [sflag:s13], $0x4000  }
0x35: {  	s25 =	sor.u32 s26, s25;
	s24 =	simm.s32 $0x100;
	[sflag:s13] =	ssyncset.done $0x0  }
.LBB2_2:
0x36: {  	s25 =	sshrl.u32 s25, $0x3  }
0x37: {  	[sflag:s13] =	ssyncadd.s32 $0xFFFFC000;
	s26 =	smov.u32 s24;
	s28 =	sadd.s32 $0x80, s24  }
0x38: {  	p0 =	sne.s32 s24, $0x2780;
	s24 =	sadd.s32 s5, s25  }
0x39: {  	[tilespmem:s18], [sflag:$0x2] =	stream.linear.gather [hbm4b:s24+s3], $0x80, $0x38;
	[tilespmem:$0x18100] =	vst v63  }
0x3a: {  	_ =	swait.ge [sflag:s13], $0x80  }
0x3b: {  	[sflag:s13] =	ssyncset.done $0x0  }
0x3c: {  	s24 =	sadd.s32 s6, s25;
	[sflag:s13] =	ssyncadd.s32 $0xFFFFFF80  }
0x3d: {  	[tilespmem:s19], [sflag:$0x2] =	stream.linear.gather [hbm4b:s24+s3], $0x80, $0x38;
	[tilespmem:$0x18100] =	vst v63  }
0x3e: {  	_ =	swait.ge [sflag:s13], $0x80  }
0x3f: {  	[sflag:s13] =	ssyncset.done $0x0  }
0x40: {  	[sflag:s13] =	ssyncadd.s32 $0xFFFFFF80  }
0x41: {  	[tilespmem:s21], [sflag:$0x1] =	stream.indirect.gather [hbm4b:s4+s20], $0x80, s18, s20, $0xb8;
	[tilespmem:$0x18100] =	vst v63  }
0x42: {  	_ =	swait.ge [sflag:s22], $0x4000  }
.Ltmp0:
0x43: {  	[sflag:s22] =	ssyncset.done $0x0;
	(pc) =	sbr.rel @p0 .LBB2_2-.Ltmp0, $4  }
0x44: {  	s24 =	sand.u32 $0x3C00, s26;
	[sflag:s22] =	ssyncadd.s32 $0xFFFFC000  }
0x45: {  	[spmem:s1] =	stream.indirect.scatter.add.f32 [tilespmem:s21], [sflag:$0x2], $0x80, s19, s20, $0xb8;
	[tilespmem:$0x18100] =	vst v63  }
0x46: {  	s25 =	sand.u32 $0x380, s26;
	s24 =	sadd.s32 s24, s9;
	_ =	swait.ge [sflag:s13], $0x4000  }
0x47: {  	s25 =	sor.u32 s25, s24;
	s24 =	smov.u32 s28;
	[sflag:s13] =	ssyncset.done $0x0  }
0x48: {  	s24 =	sshrl.u32 s25, $0x3  }
0x49: {  	[sflag:s13] =	ssyncadd.s32 $0xFFFFC000;
	s25 =	sadd.s32 s5, s24  }
0x4a: {  	[tilespmem:s18], [sflag:$0x2] =	stream.linear.gather [hbm4b:s25+s3], $0x80, $0x38;
	[tilespmem:$0x18100] =	vst v63  }
0x4b: {  	_ =	swait.ge [sflag:s13], $0x80  }
0x4c: {  	[sflag:s13] =	ssyncset.done $0x0  }
0x4d: {  	s24 =	sadd.s32 s6, s24;
	[sflag:s13] =	ssyncadd.s32 $0xFFFFFF80  }
0x4e: {  	[tilespmem:s19], [sflag:$0x2] =	stream.linear.gather [hbm4b:s24+s3], $0x80, $0x38;
	[tilespmem:$0x18100] =	vst v63  }
0x4f: {  	_ =	swait.ge [sflag:s13], $0x80  }
0x50: {  	[sflag:s13] =	ssyncset.done $0x0  }
0x51: {  	[sflag:s13] =	ssyncadd.s32 $0xFFFFFF80  }
0x52: {  	[tilespmem:s21], [sflag:$0x1] =	stream.indirect.gather [hbm4b:s4+s20], $0x80, s18, s20, $0xb8;
	[tilespmem:$0x18100] =	vst v63  }
0x53: {  	_ =	swait.ge [sflag:s22], $0x4000  }
0x54: {  	[sflag:s22] =	ssyncset.done $0x0  }
0x55: {  	[sflag:s22] =	ssyncadd.s32 $0xFFFFC000  }
0x56: {  	[spmem:s1] =	stream.indirect.scatter.add.f32 [tilespmem:s21], [sflag:$0x2], $0x80, s19, s20, $0xb8;
	[tilespmem:$0x18100] =	vst v63  }
0x57: {  	_ =	swait.ge [sflag:s13], $0x4000  }
0x58: {  	s23 =	sadd.s32 $0x1, s23;
	[sflag:s13] =	ssyncset.done $0x0  }
0x59: {  	p0 =	sne.s32 s23, s11;
	[sflag:s13] =	ssyncadd.s32 $0xFFFFC000  }
.Ltmp1:
0x5a: {  	[bflag:$0x0] =	sbarrier.arrive $0xFFFF;
	(pc) =	sbr.rel @p0 .LBB2_1-.Ltmp1, $4  }
0x5b: {  	[hbm:s10], [sflag:s8] =	dma.local [spmem:s12], $0x2800  }
0x5c: {  	_ =	swait.ge [sflag:s13], $0x2800  }
0x5d: {  	[sflag:s13] =	ssyncset.done $0x0  }
0x5e: {  	[sflag:s13] =	ssyncadd.s32 $0xFFFFD800  }
0x5f: {  	_ =	sfence.sel $0x180000  }
0x60: {  	[bflag:$0x0] =	sbarrier.arrive $0xFFFF  }
0x61: {  	p0 =	sne.s32 s2, $0x0;
	_ =	strace $0x90000050  }
0x62: {  	s0 =	sadd.s32 @!p0 $0x100000, s0;
	[bflag:$0x2] =	sbarrier.arrive $0xFFFF  }
0x63: {  	[sflag:s0] =	ssyncadd.tile.s32 @!p0 $0x1;
	_ =	shalt  }
.Lfunc_end2:
_tile_overlayer_lowered:
.L_overlay_start_2:
0x64: {  	(tag) =	ssettag $0x2  }
0x65: {  	s0 =	rddreg [dreg:$0x0];
	s2 =	stileid.u32  }
0x66: {  	s1 =	rddreg [dreg:$0x1];
	p0 =	sne.s32 s2, $0x0  }
0x67: {  	s3 =	rddreg [dreg:$0x2];
	[bflag:$0x3] =	sbarrier.arrive $0xFFFF;
	s2 =	simm.s32 @!p0 $0x1C02  }
0x68: {  	[timem:s3], [sflag:s2] =	dma.local @!p0 [hbm:s0], s1  }
0x69: {  	s0 =	simm.s32 @!p0 $0x2  }
0x6a: {  	_ =	swait.ge @!p0 [sflag:s0], s1  }
0x6b: {  	s1 =	ssub.s32 @!p0 $0x0, s1;
	[sflag:s0] =	ssyncset.done @!p0 $0x0  }
0x6c: {  	[sflag:s0] =	ssyncadd.s32 @!p0 s1  }
0x6d: {  	[bflag:$0x3] =	sbarrier.arrive $0xFFFF  }
0x6e: {  	_ =	shalt  }

</sc_bundles>
